<compile_context>
chip_gen: v7x
topology: tpu7x:2x2x1
jax: 0.10.2.dev20260603
libtpu: 0.0.44.dev20260713+nightly
codegen_flags: <defaults>
</compile_context>

<pallas_src>
import functools

import jax
import jax.numpy as jnp
from jax import lax
from jax.experimental import pallas as pl
from jax.experimental.pallas import tpu as pltpu
from jax.experimental.pallas import tpu_sc as plsc

_NC = 2
_NS = 16
_NW = _NC * _NS
_CH = 128


def _mesh():
    return plsc.VectorSubcoreMesh(
        core_axis_name="c", subcore_axis_name="s",
        num_cores=_NC, num_subcores=_NS)


def _sc_degree(nacc, cpw, d):
    seg = nacc // _NS

    @functools.partial(
        pl.kernel, mesh=_mesh(),
        out_type=jax.ShapeDtypeStruct((_NC, nacc, d), jnp.float32),
        compiler_params=pltpu.CompilerParams(use_tc_tiling_on_sc=False),
        scratch_types=[
            pltpu.VMEM((cpw, _CH), jnp.int32),
            pltpu.VMEM((_CH, d), jnp.float32),
            pltpu.VMEM_SHARED((nacc, d), jnp.float32),
            pltpu.SemaphoreType.DMA,
        ],
    )
    def deg_kernel(edges_hbm, zeros_hbm, ones_hbm, out_hbm, didx, ones_v, acc,
                   sem):
        c = lax.axis_index("c")
        s = lax.axis_index("s")
        wid = s * _NC + c
        pltpu.sync_copy(edges_hbm.at[1, wid], didx)
        pltpu.sync_copy(ones_hbm, ones_v)
        pltpu.sync_copy(zeros_hbm.at[pl.ds(s * seg, seg), :],
                        acc.at[pl.ds(s * seg, seg), :])
        plsc.subcore_barrier()

        @pl.loop(0, cpw)
        def _(j):
            pltpu.async_copy(ones_v, acc.at[didx.at[j]], sem, add=True)

        @pl.loop(0, cpw)
        def _(j):
            pltpu.make_async_copy(ones_v, acc.at[didx.at[0]], sem).wait()

        plsc.subcore_barrier()
        pltpu.sync_copy(acc.at[pl.ds(s * seg, seg), :],
                        out_hbm.at[c, pl.ds(s * seg, seg), :])

    return deg_kernel


def _sc_propagate(n, nacc, cpw, d):
    seg = nacc // _NS
    gseg = n // _NS

    @functools.partial(
        pl.kernel, mesh=_mesh(),
        out_type=jax.ShapeDtypeStruct((_NC, nacc, d), jnp.float32),
        compiler_params=pltpu.CompilerParams(use_tc_tiling_on_sc=False),
        scratch_types=[
            pltpu.VMEM((cpw, _CH), jnp.int32),
            pltpu.VMEM((cpw, _CH), jnp.int32),
            pltpu.VMEM((4, _CH, d), jnp.float32),
            pltpu.VMEM_SHARED((nacc, d), jnp.float32),
            pltpu.VMEM_SHARED((n, d), jnp.float32),
            [pltpu.SemaphoreType.DMA] * 4,
            [pltpu.SemaphoreType.DMA] * 4,
        ],
    )
    def prop_kernel(g_hbm, edges_hbm, zeros_hbm, out_hbm,
                    sidx, didx, bufs, acc, g_sh, gsem, ssem):
        c = lax.axis_index("c")
        s = lax.axis_index("s")
        wid = s * _NC + c
        pltpu.sync_copy(edges_hbm.at[0, wid], sidx)
        pltpu.sync_copy(edges_hbm.at[1, wid], didx)
        pltpu.sync_copy(zeros_hbm.at[pl.ds(s * seg, seg), :],
                        acc.at[pl.ds(s * seg, seg), :])
        pltpu.sync_copy(g_hbm.at[pl.ds(s * gseg, gseg), :],
                        g_sh.at[pl.ds(s * gseg, gseg), :])
        plsc.subcore_barrier()

        for b in range(3):
            pltpu.async_copy(g_sh.at[sidx.at[b]], bufs.at[b], gsem[b])

        @pl.loop(0, cpw, step=4)
        def _(j):
            for b in range(4):
                jb = j + b
                ns = (b + 3) % 4

                @pl.when(jb > 0)
                def _():
                    pltpu.make_async_copy(
                        bufs.at[ns], acc.at[didx.at[0]], ssem[ns]).wait()

                @pl.when(jb + 3 < cpw)
                def _():
                    pltpu.async_copy(
                        g_sh.at[sidx.at[jb + 3]], bufs.at[ns], gsem[ns])

                pltpu.make_async_copy(
                    g_sh.at[sidx.at[jb]], bufs.at[b], gsem[b]).wait()
                pltpu.async_copy(
                    bufs.at[b], acc.at[didx.at[jb]], ssem[b], add=True)

        pltpu.make_async_copy(bufs.at[3], acc.at[didx.at[0]], ssem[3]).wait()
        plsc.subcore_barrier()
        pltpu.sync_copy(acc.at[pl.ds(s * seg, seg), :],
                        out_hbm.at[c, pl.ds(s * seg, seg), :])

    return prop_kernel


def _tc_matmul(xr, w0r):
    nr = xr.shape[0]
    dr = w0r.shape[1]

    def body(x_ref, w_ref, xw_ref):
        xw_ref[...] = jnp.dot(x_ref[...], w_ref[...],
                              preferred_element_type=jnp.float32)

    return pl.pallas_call(
        body,
        out_shape=jax.ShapeDtypeStruct((nr, dr), jnp.float32),
    )(xr, w0r)


def _tc_scale(degpr, xwr):
    nr, dr = xwr.shape

    def body(degp_ref, xw_ref, g0_ref, dinv_ref):
        deg = degp_ref[0, :nr, :] + degp_ref[1, :nr, :] + 1.0
        dinv = lax.rsqrt(deg)
        dinv_ref[...] = dinv
        g0_ref[...] = xw_ref[...] * dinv

    return pl.pallas_call(
        body,
        out_shape=(jax.ShapeDtypeStruct((nr, dr), jnp.float32),
                   jax.ShapeDtypeStruct((nr, dr), jnp.float32)),
    )(degpr, xwr)


def _tc_mid(partsr, g0r, dinvr, b0t):
    nr, dr = g0r.shape

    def body(p_ref, g0_ref, dinv_ref, b_ref, g1_ref):
        ssum = p_ref[0, :nr, :] + p_ref[1, :nr, :] + g0_ref[...]
        h0 = jnp.maximum(ssum * dinv_ref[...] + b_ref[...], 0.0)
        g1_ref[...] = h0 * dinv_ref[...]

    return pl.pallas_call(
        body,
        out_shape=jax.ShapeDtypeStruct((nr, dr), jnp.float32),
    )(partsr, g0r, dinvr, b0t)


def _tc_out(partsr, g1r, dinvr, w1r, b1t):
    nr, dr = g1r.shape
    ncr = w1r.shape[1]

    def body(p_ref, g1_ref, dinv_ref, w_ref, b_ref, out_ref):
        ssum = (p_ref[0, :nr, :] + p_ref[1, :nr, :] + g1_ref[...]) * dinv_ref[...]
        out_ref[...] = jnp.dot(ssum, w_ref[...],
                               preferred_element_type=jnp.float32) + b_ref[...]

    return pl.pallas_call(
        body,
        out_shape=jax.ShapeDtypeStruct((nr, ncr), jnp.float32),
    )(partsr, g1r, dinvr, w1r, b1t)


def _block_diag(w, k):
    a, b = w.shape
    eye = jnp.eye(k, dtype=w.dtype)
    return (eye[:, None, :, None] * w[None, :, None, :]).reshape(k * a, k * b)


def kernel(x, edge_index, W0, b0, W1, b1):
    n = x.shape[1]
    e = edge_index.shape[2]
    dh = W0.shape[1]

    x2 = x[0]
    ei = edge_index[0].astype(jnp.int32)

    cpw = -(-e // (_NW * _CH))
    cpw += (-cpw) % 4
    epad = _NW * cpw * _CH
    npad_rows = 240
    nacc = n + npad_rows

    pad = epad - e
    pad_ar = jnp.arange(pad, dtype=jnp.int32)
    pads = jnp.stack([pad_ar % n, n + (pad_ar % npad_rows)])
    edges = jnp.concatenate([ei, pads], axis=1).reshape(2, _NW, cpw, _CH)

    ones_c = jnp.ones((_CH, dh), jnp.float32)
    zeros2 = jnp.zeros((nacc, dh), jnp.float32)

    pk = 128 // dh
    nr = n // pk
    nc = W1.shape[1]
    xr = x2.reshape(nr, pk * x2.shape[1])
    w0r = _block_diag(W0, pk)
    w1r = _block_diag(W1, pk)
    b0t = jnp.tile(b0, pk).reshape(1, pk * dh)
    b1t = jnp.tile(b1, pk).reshape(1, pk * nc)

    xwr = _tc_matmul(xr, w0r)
    degp = _sc_degree(nacc, cpw, dh)(edges, zeros2, ones_c)
    degpr = degp.reshape(_NC, nacc // pk, pk * dh)
    g0r, dinvr = _tc_scale(degpr, xwr)
    g0 = g0r.reshape(n, dh)
    parts1 = _sc_propagate(n, nacc, cpw, dh)(g0, edges, zeros2)
    g1r = _tc_mid(parts1.reshape(_NC, nacc // pk, pk * dh), g0r, dinvr, b0t)
    g1 = g1r.reshape(n, dh)
    parts2 = _sc_propagate(n, nacc, cpw, dh)(g1, edges, zeros2)
    outr = _tc_out(parts2.reshape(_NC, nacc // pk, pk * dh), g1r, dinvr,
                   w1r, b1t)
    return outr.reshape(n, nc)

# --- scband reference (transcript-rebuilt; emitter-appended) ---
"""Pipeline reference for scband-gcnnetwork-51977694216539 (READ-ONLY COPY).

The authoritative reference and input builder live on the scoring server;
editing this copy changes nothing except your own understanding.
"""

import jax, jax.numpy as jnp
import numpy as np

N = 10000
E = 320000
D_IN = 128
D_HID = 16
NUM_CLASSES = 40


def setup_inputs(seed: int = 0) -> dict:
    key = jax.random.key(seed)
    ks = jax.random.split(key, 6)
    x = jax.random.normal(ks[0], (1, N, D_IN), dtype=jnp.float32)
    edge_index = jax.random.randint(ks[1], (1, 2, E), 0, N)
    W0 = jax.random.normal(ks[2], (D_IN, D_HID), dtype=jnp.float32) * (1.0 / np.sqrt(D_IN))
    b0 = jnp.zeros((D_HID,), dtype=jnp.float32)
    W1 = jax.random.normal(ks[3], (D_HID, NUM_CLASSES), dtype=jnp.float32) * (1.0 / np.sqrt(D_HID))
    b1 = jnp.zeros((NUM_CLASSES,), dtype=jnp.float32)
    return {"x": x, "edge_index": edge_index, "W0": W0, "b0": b0, "W1": W1, "b1": b1}


def _gcn_propagate(h, src, dst, norm, n):
    # gather source node features, scale by symmetric norm, scatter-add to dst
    m = jnp.take(h, src, axis=0) * norm[:, None]
    return jax.ops.segment_sum(m, dst, num_segments=n)


def reference(x, edge_index, W0, b0, W1, b1):
    # Module strips the leading batch dim of 1: x = x[0], edge_index = edge_index[0]
    h = x[0]
    ei = edge_index[0]
    # Kipf GCN: add self-loops, symmetric normalization D^{-1/2} A_hat D^{-1/2}
    loops = jnp.arange(N, dtype=ei.dtype)
    src = jnp.concatenate([ei[0], loops])
    dst = jnp.concatenate([ei[1], loops])
    deg = jax.ops.segment_sum(jnp.ones_like(dst, dtype=jnp.float32), dst, num_segments=N)
    dinv = jax.lax.rsqrt(jnp.maximum(deg, 1.0))
    norm = dinv[src] * dinv[dst]
    # dropout layers are identity at inference (training=None)
    h0 = _gcn_propagate(h @ W0, src, dst, norm, N) + b0
    h0 = jax.nn.relu(h0)
    out = _gcn_propagate(h0 @ W1, src, dst, norm, N) + b1
    return out

if __name__ == "__main__":
    import jax
    _d = setup_inputs()
    print(jax.jit(kernel)(*tuple(_d.values())))

</pallas_src>

<mosaic_0001>
#map = affine_map<(d0, d1) -> (0, 0)>
#map1 = affine_map<(d0, d1) -> (0, 0, 0, 0)>
#map2 = affine_map<(d0, d1) -> (0, 0, 0)>
module attributes {stable_mosaic.version = 14 : i64} {
  func.func @prop_kernel(%arg0: i32, %arg1: i32, %arg2: memref<10000x16xf32, #tpu.memory_space<hbm>>, %arg3: memref<2x32x80x128xi32, #tpu.memory_space<hbm>>, %arg4: memref<10240x16xf32, #tpu.memory_space<hbm>>, %arg5: memref<2x10240x16xf32, #tpu.memory_space<hbm>>, %arg6: memref<80x128xi32, #tpu.memory_space<vmem>>, %arg7: memref<80x128xi32, #tpu.memory_space<vmem>>, %arg8: memref<4x128x16xf32, #tpu.memory_space<vmem>>, %arg9: memref<10240x16xf32, #tpu.memory_space<vmem_shared>>, %arg10: memref<10000x16xf32, #tpu.memory_space<vmem_shared>>, %arg11: memref<!tpu.dma_semaphore, #tpu.memory_space<semaphore_mem>>, %arg12: memref<!tpu.dma_semaphore, #tpu.memory_space<semaphore_mem>>, %arg13: memref<!tpu.dma_semaphore, #tpu.memory_space<semaphore_mem>>, %arg14: memref<!tpu.dma_semaphore, #tpu.memory_space<semaphore_mem>>, %arg15: memref<!tpu.dma_semaphore, #tpu.memory_space<semaphore_mem>>, %arg16: memref<!tpu.dma_semaphore, #tpu.memory_space<semaphore_mem>>, %arg17: memref<!tpu.dma_semaphore, #tpu.memory_space<semaphore_mem>>, %arg18: memref<!tpu.dma_semaphore, #tpu.memory_space<semaphore_mem>>) attributes {dimension_semantics = [#tpu.dimension_semantics<core_parallel>, #tpu.dimension_semantics<subcore_parallel>], iteration_bounds = array<i64: 2, 16>, scalar_prefetch = 0 : i64, scratch_operands = 13 : i64, tpu.core_type = #tpu.core_type<sc_vector_subcore>, window_params = [{transform_indices = #map}, {transform_indices = #map1}, {transform_indices = #map}, {transform_indices = #map2}]} {
    %mul3A = arith.constant 2 : i32
    %mul3A_0 = arith.muli %arg1, %mul3A : i32
    %add3A = arith.addi %mul3A_0, %arg0 : i32
    %run_scoped3A = arith.constant 0 : i32
    "tpu.region"() ({
      %run_scoped3A_65 = tpu.sem_alloc : memref<!tpu.dma_semaphore, #tpu.memory_space<semaphore_mem>>
      %dma_start3A_66 = arith.constant 0 : i32
      %dma_start3A_67 = arith.constant 0 : i32
      %dma_start3A_68 = tpu.memref_slice %arg3[%run_scoped3A, %add3A, %dma_start3A_66, %dma_start3A_67] : memref<2x32x80x128xi32, #tpu.memory_space<hbm>> -> memref<1x1x80x128xi32, #tpu.memory_space<hbm>>
      %dma_start3A_69 = tpu.memref_squeeze %dma_start3A_68 : memref<1x1x80x128xi32, #tpu.memory_space<hbm>> -> memref<80x128xi32, #tpu.memory_space<hbm>>
      %dma_start3A_70 = arith.constant 0 : i32
      %dma_start3A_71 = arith.constant 0 : i32
      %dma_start3A_72 = tpu.memref_slice %arg3[%run_scoped3A, %add3A, %dma_start3A_70, %dma_start3A_71] : memref<2x32x80x128xi32, #tpu.memory_space<hbm>> -> memref<1x1x80x128xi32, #tpu.memory_space<hbm>>
      %dma_start3A_73 = tpu.memref_squeeze %dma_start3A_72 : memref<1x1x80x128xi32, #tpu.memory_space<hbm>> -> memref<80x128xi32, #tpu.memory_space<hbm>>
      tpu.enqueue_dma source(%dma_start3A_73 : memref<80x128xi32, #tpu.memory_space<hbm>>) target(%arg6 : memref<80x128xi32, #tpu.memory_space<vmem>>) target_semaphore(%run_scoped3A_65 : memref<!tpu.dma_semaphore, #tpu.memory_space<semaphore_mem>>)
      %dma_wait3A_74 = arith.constant 0 : i32
      %dma_wait3A_75 = arith.constant 0 : i32
      %dma_wait3A_76 = tpu.memref_slice %arg3[%run_scoped3A, %add3A, %dma_wait3A_74, %dma_wait3A_75] : memref<2x32x80x128xi32, #tpu.memory_space<hbm>> -> memref<1x1x80x128xi32, #tpu.memory_space<hbm>>
      %dma_wait3A_77 = tpu.memref_squeeze %dma_wait3A_76 : memref<1x1x80x128xi32, #tpu.memory_space<hbm>> -> memref<80x128xi32, #tpu.memory_space<hbm>>
      %dma_wait3A_78 = arith.constant 0 : i32
      %dma_wait3A_79 = arith.constant 0 : i32
      %dma_wait3A_80 = tpu.memref_slice %arg3[%run_scoped3A, %add3A, %dma_wait3A_78, %dma_wait3A_79] : memref<2x32x80x128xi32, #tpu.memory_space<hbm>> -> memref<1x1x80x128xi32, #tpu.memory_space<hbm>>
      %dma_wait3A_81 = tpu.memref_squeeze %dma_wait3A_80 : memref<1x1x80x128xi32, #tpu.memory_space<hbm>> -> memref<80x128xi32, #tpu.memory_space<hbm>>
      tpu.wait_dma2 semaphore(%run_scoped3A_65 : memref<!tpu.dma_semaphore, #tpu.memory_space<semaphore_mem>>) src(%dma_wait3A_81 : memref<80x128xi32, #tpu.memory_space<hbm>>) dst(%arg6 : memref<80x128xi32, #tpu.memory_space<vmem>>)
      tpu.yield
    }) : () -> ()
    %run_scoped3A_1 = arith.constant 1 : i32
    "tpu.region"() ({
      %run_scoped3A_65 = tpu.sem_alloc : memref<!tpu.dma_semaphore, #tpu.memory_space<semaphore_mem>>
      %dma_start3A_66 = arith.constant 0 : i32
      %dma_start3A_67 = arith.constant 0 : i32
      %dma_start3A_68 = tpu.memref_slice %arg3[%run_scoped3A_1, %add3A, %dma_start3A_66, %dma_start3A_67] : memref<2x32x80x128xi32, #tpu.memory_space<hbm>> -> memref<1x1x80x128xi32, #tpu.memory_space<hbm>>
      %dma_start3A_69 = tpu.memref_squeeze %dma_start3A_68 : memref<1x1x80x128xi32, #tpu.memory_space<hbm>> -> memref<80x128xi32, #tpu.memory_space<hbm>>
      %dma_start3A_70 = arith.constant 0 : i32
      %dma_start3A_71 = arith.constant 0 : i32
      %dma_start3A_72 = tpu.memref_slice %arg3[%run_scoped3A_1, %add3A, %dma_start3A_70, %dma_start3A_71] : memref<2x32x80x128xi32, #tpu.memory_space<hbm>> -> memref<1x1x80x128xi32, #tpu.memory_space<hbm>>
      %dma_start3A_73 = tpu.memref_squeeze %dma_start3A_72 : memref<1x1x80x128xi32, #tpu.memory_space<hbm>> -> memref<80x128xi32, #tpu.memory_space<hbm>>
      tpu.enqueue_dma source(%dma_start3A_73 : memref<80x128xi32, #tpu.memory_space<hbm>>) target(%arg7 : memref<80x128xi32, #tpu.memory_space<vmem>>) target_semaphore(%run_scoped3A_65 : memref<!tpu.dma_semaphore, #tpu.memory_space<semaphore_mem>>)
      %dma_wait3A_74 = arith.constant 0 : i32
      %dma_wait3A_75 = arith.constant 0 : i32
      %dma_wait3A_76 = tpu.memref_slice %arg3[%run_scoped3A_1, %add3A, %dma_wait3A_74, %dma_wait3A_75] : memref<2x32x80x128xi32, #tpu.memory_space<hbm>> -> memref<1x1x80x128xi32, #tpu.memory_space<hbm>>
      %dma_wait3A_77 = tpu.memref_squeeze %dma_wait3A_76 : memref<1x1x80x128xi32, #tpu.memory_space<hbm>> -> memref<80x128xi32, #tpu.memory_space<hbm>>
      %dma_wait3A_78 = arith.constant 0 : i32
      %dma_wait3A_79 = arith.constant 0 : i32
      %dma_wait3A_80 = tpu.memref_slice %arg3[%run_scoped3A_1, %add3A, %dma_wait3A_78, %dma_wait3A_79] : memref<2x32x80x128xi32, #tpu.memory_space<hbm>> -> memref<1x1x80x128xi32, #tpu.memory_space<hbm>>
      %dma_wait3A_81 = tpu.memref_squeeze %dma_wait3A_80 : memref<1x1x80x128xi32, #tpu.memory_space<hbm>> -> memref<80x128xi32, #tpu.memory_space<hbm>>
      tpu.wait_dma2 semaphore(%run_scoped3A_65 : memref<!tpu.dma_semaphore, #tpu.memory_space<semaphore_mem>>) src(%dma_wait3A_81 : memref<80x128xi32, #tpu.memory_space<hbm>>) dst(%arg7 : memref<80x128xi32, #tpu.memory_space<vmem>>)
      tpu.yield
    }) : () -> ()
    %mul3A_2 = arith.constant 640 : i32
    %mul3A_3 = arith.muli %arg1, %mul3A_2 : i32
    %mul3A_4 = arith.constant 640 : i32
    %mul3A_5 = arith.muli %arg1, %mul3A_4 : i32
    "tpu.region"() ({
      %run_scoped3A_65 = tpu.sem_alloc : memref<!tpu.dma_semaphore, #tpu.memory_space<semaphore_mem>>
      %dma_start3A_66 = arith.constant 0 : i32
      %dma_start3A_67 = tpu.memref_slice %arg9[%mul3A_5, %dma_start3A_66] : memref<10240x16xf32, #tpu.memory_space<vmem_shared>> -> memref<640x16xf32, #tpu.memory_space<vmem_shared>>
      %dma_start3A_68 = arith.constant 0 : i32
      %dma_start3A_69 = tpu.memref_slice %arg4[%mul3A_3, %dma_start3A_68] : memref<10240x16xf32, #tpu.memory_space<hbm>> -> memref<640x16xf32, #tpu.memory_space<hbm>>
      tpu.enqueue_dma source(%dma_start3A_69 : memref<640x16xf32, #tpu.memory_space<hbm>>) target(%dma_start3A_67 : memref<640x16xf32, #tpu.memory_space<vmem_shared>>) target_semaphore(%run_scoped3A_65 : memref<!tpu.dma_semaphore, #tpu.memory_space<semaphore_mem>>)
      %dma_wait3A_70 = arith.constant 0 : i32
      %dma_wait3A_71 = tpu.memref_slice %arg9[%mul3A_5, %dma_wait3A_70] : memref<10240x16xf32, #tpu.memory_space<vmem_shared>> -> memref<640x16xf32, #tpu.memory_space<vmem_shared>>
      %dma_wait3A_72 = arith.constant 0 : i32
      %dma_wait3A_73 = tpu.memref_slice %arg4[%mul3A_3, %dma_wait3A_72] : memref<10240x16xf32, #tpu.memory_space<hbm>> -> memref<640x16xf32, #tpu.memory_space<hbm>>
      tpu.wait_dma2 semaphore(%run_scoped3A_65 : memref<!tpu.dma_semaphore, #tpu.memory_space<semaphore_mem>>) src(%dma_wait3A_73 : memref<640x16xf32, #tpu.memory_space<hbm>>) dst(%dma_wait3A_71 : memref<640x16xf32, #tpu.memory_space<vmem_shared>>)
      tpu.yield
    }) : () -> ()
    %mul3A_6 = arith.constant 625 : i32
    %mul3A_7 = arith.muli %arg1, %mul3A_6 : i32
    %mul3A_8 = arith.constant 625 : i32
    %mul3A_9 = arith.muli %arg1, %mul3A_8 : i32
    "tpu.region"() ({
      %run_scoped3A_65 = tpu.sem_alloc : memref<!tpu.dma_semaphore, #tpu.memory_space<semaphore_mem>>
      %dma_start3A_66 = arith.constant 0 : i32
      %dma_start3A_67 = tpu.memref_slice %arg10[%mul3A_9, %dma_start3A_66] : memref<10000x16xf32, #tpu.memory_space<vmem_shared>> -> memref<625x16xf32, #tpu.memory_space<vmem_shared>>
      %dma_start3A_68 = arith.constant 0 : i32
      %dma_start3A_69 = tpu.memref_slice %arg2[%mul3A_7, %dma_start3A_68] : memref<10000x16xf32, #tpu.memory_space<hbm>> -> memref<625x16xf32, #tpu.memory_space<hbm>>
      tpu.enqueue_dma source(%dma_start3A_69 : memref<625x16xf32, #tpu.memory_space<hbm>>) target(%dma_start3A_67 : memref<625x16xf32, #tpu.memory_space<vmem_shared>>) target_semaphore(%run_scoped3A_65 : memref<!tpu.dma_semaphore, #tpu.memory_space<semaphore_mem>>)
      %dma_wait3A_70 = arith.constant 0 : i32
      %dma_wait3A_71 = tpu.memref_slice %arg10[%mul3A_9, %dma_wait3A_70] : memref<10000x16xf32, #tpu.memory_space<vmem_shared>> -> memref<625x16xf32, #tpu.memory_space<vmem_shared>>
      %dma_wait3A_72 = arith.constant 0 : i32
      %dma_wait3A_73 = tpu.memref_slice %arg2[%mul3A_7, %dma_wait3A_72] : memref<10000x16xf32, #tpu.memory_space<hbm>> -> memref<625x16xf32, #tpu.memory_space<hbm>>
      tpu.wait_dma2 semaphore(%run_scoped3A_65 : memref<!tpu.dma_semaphore, #tpu.memory_space<semaphore_mem>>) src(%dma_wait3A_73 : memref<625x16xf32, #tpu.memory_space<hbm>>) dst(%dma_wait3A_71 : memref<625x16xf32, #tpu.memory_space<vmem_shared>>)
      tpu.yield
    }) : () -> ()
    %barrier3A = arith.constant 0 : index
    tpu.barrier barrier_id(%barrier3A)
    %dma_start3A = arith.constant 0 : i32
    %dma_start3A_10 = arith.constant 0 : i32
    %dma_start3A_11 = arith.constant 0 : i32
    %dma_start3A_12 = arith.constant 0 : i32
    %dma_start3A_13 = tpu.memref_slice %arg8[%dma_start3A_10, %dma_start3A_11, %dma_start3A_12] : memref<4x128x16xf32, #tpu.memory_space<vmem>> -> memref<1x128x16xf32, #tpu.memory_space<vmem>>
    %dma_start3A_14 = tpu.memref_squeeze %dma_start3A_13 : memref<1x128x16xf32, #tpu.memory_space<vmem>> -> memref<128x16xf32, #tpu.memory_space<vmem>>
    %dma_start3A_15 = arith.constant 0 : i32
    %dma_start3A_16 = tpu.memref_slice %arg6[%dma_start3A, %dma_start3A_15] : memref<80x128xi32, #tpu.memory_space<vmem>> -> memref<1x128xi32, #tpu.memory_space<vmem>>
    %dma_start3A_17 = tpu.memref_squeeze %dma_start3A_16 : memref<1x128xi32, #tpu.memory_space<vmem>> -> memref<128xi32, #tpu.memory_space<vmem>>
    %dma_start3A_18 = arith.constant 0 : i32
    %dma_start3A_19 = arith.constant 0 : i32
    %dma_start3A_20 = tpu.memref_slice %arg10[%dma_start3A_18, %dma_start3A_19] : memref<10000x16xf32, #tpu.memory_space<vmem_shared>> -> memref<10000x16xf32, #tpu.memory_space<vmem_shared>>
    tpu.enqueue_indirect_dma source(%dma_start3A_20 : memref<10000x16xf32, #tpu.memory_space<vmem_shared>>) target(%dma_start3A_14 : memref<128x16xf32, #tpu.memory_space<vmem>>) offsets(%dma_start3A_17 : memref<128xi32, #tpu.memory_space<vmem>>) semaphore(%arg11 : memref<!tpu.dma_semaphore, #tpu.memory_space<semaphore_mem>>)
    %dma_start3A_21 = arith.constant 1 : i32
    %dma_start3A_22 = arith.constant 1 : i32
    %dma_start3A_23 = arith.constant 0 : i32
    %dma_start3A_24 = arith.constant 0 : i32
    %dma_start3A_25 = tpu.memref_slice %arg8[%dma_start3A_22, %dma_start3A_23, %dma_start3A_24] : memref<4x128x16xf32, #tpu.memory_space<vmem>> -> memref<1x128x16xf32, #tpu.memory_space<vmem>>
    %dma_start3A_26 = tpu.memref_squeeze %dma_start3A_25 : memref<1x128x16xf32, #tpu.memory_space<vmem>> -> memref<128x16xf32, #tpu.memory_space<vmem>>
    %dma_start3A_27 = arith.constant 0 : i32
    %dma_start3A_28 = tpu.memref_slice %arg6[%dma_start3A_21, %dma_start3A_27] : memref<80x128xi32, #tpu.memory_space<vmem>> -> memref<1x128xi32, #tpu.memory_space<vmem>>
    %dma_start3A_29 = tpu.memref_squeeze %dma_start3A_28 : memref<1x128xi32, #tpu.memory_space<vmem>> -> memref<128xi32, #tpu.memory_space<vmem>>
    %dma_start3A_30 = arith.constant 0 : i32
    %dma_start3A_31 = arith.constant 0 : i32
    %dma_start3A_32 = tpu.memref_slice %arg10[%dma_start3A_30, %dma_start3A_31] : memref<10000x16xf32, #tpu.memory_space<vmem_shared>> -> memref<10000x16xf32, #tpu.memory_space<vmem_shared>>
    tpu.enqueue_indirect_dma source(%dma_start3A_32 : memref<10000x16xf32, #tpu.memory_space<vmem_shared>>) target(%dma_start3A_26 : memref<128x16xf32, #tpu.memory_space<vmem>>) offsets(%dma_start3A_29 : memref<128xi32, #tpu.memory_space<vmem>>) semaphore(%arg12 : memref<!tpu.dma_semaphore, #tpu.memory_space<semaphore_mem>>)
    %dma_start3A_33 = arith.constant 2 : i32
    %dma_start3A_34 = arith.constant 2 : i32
    %dma_start3A_35 = arith.constant 0 : i32
    %dma_start3A_36 = arith.constant 0 : i32
    %dma_start3A_37 = tpu.memref_slice %arg8[%dma_start3A_34, %dma_start3A_35, %dma_start3A_36] : memref<4x128x16xf32, #tpu.memory_space<vmem>> -> memref<1x128x16xf32, #tpu.memory_space<vmem>>
    %dma_start3A_38 = tpu.memref_squeeze %dma_start3A_37 : memref<1x128x16xf32, #tpu.memory_space<vmem>> -> memref<128x16xf32, #tpu.memory_space<vmem>>
    %dma_start3A_39 = arith.constant 0 : i32
    %dma_start3A_40 = tpu.memref_slice %arg6[%dma_start3A_33, %dma_start3A_39] : memref<80x128xi32, #tpu.memory_space<vmem>> -> memref<1x128xi32, #tpu.memory_space<vmem>>
    %dma_start3A_41 = tpu.memref_squeeze %dma_start3A_40 : memref<1x128xi32, #tpu.memory_space<vmem>> -> memref<128xi32, #tpu.memory_space<vmem>>
    %dma_start3A_42 = arith.constant 0 : i32
    %dma_start3A_43 = arith.constant 0 : i32
    %dma_start3A_44 = tpu.memref_slice %arg10[%dma_start3A_42, %dma_start3A_43] : memref<10000x16xf32, #tpu.memory_space<vmem_shared>> -> memref<10000x16xf32, #tpu.memory_space<vmem_shared>>
    tpu.enqueue_indirect_dma source(%dma_start3A_44 : memref<10000x16xf32, #tpu.memory_space<vmem_shared>>) target(%dma_start3A_38 : memref<128x16xf32, #tpu.memory_space<vmem>>) offsets(%dma_start3A_41 : memref<128xi32, #tpu.memory_space<vmem>>) semaphore(%arg13 : memref<!tpu.dma_semaphore, #tpu.memory_space<semaphore_mem>>)
    %scan3A = arith.constant 0 : i32
    %scan3A_45 = arith.constant 20 : i32
    %scan3A_46 = arith.addi %scan3A, %scan3A_45 : i32
    %scan3A_47 = arith.constant 1 : i32
    scf.for %scan3A_65 = %scan3A to %scan3A_46 step %scan3A_47  : i32 {
      %mul3A_66 = arith.constant 4 : i32
      %mul3A_67 = arith.muli %scan3A_65, %mul3A_66 : i32
      %add3A_68 = arith.constant 0 : i32
      %add3A_69 = arith.addi %add3A_68, %mul3A_67 : i32
      %add3A_70 = arith.constant 0 : i32
      %add3A_71 = arith.addi %add3A_69, %add3A_70 : i32
      %gt3A = arith.constant 0 : i32
      %gt3A_72 = arith.cmpi sgt, %add3A_71, %gt3A : i32
      %convert_element_type3A = arith.extui %gt3A_72 : i1 to i32
      %cond3A = arith.constant 0 : i32
      %cond3A_73 = arith.cmpi ne, %convert_element_type3A, %cond3A : i32
      scf.if %cond3A_73 {
        %dma_wait3A_210 = arith.constant 3 : i32
        %dma_wait3A_211 = arith.constant 0 : i32
        %dma_wait3A_212 = arith.constant 0 : i32
        %dma_wait3A_213 = arith.constant 0 : i32
        %dma_wait3A_214 = tpu.memref_slice %arg8[%dma_wait3A_210, %dma_wait3A_212, %dma_wait3A_213] : memref<4x128x16xf32, #tpu.memory_space<vmem>> -> memref<1x128x16xf32, #tpu.memory_space<vmem>>
        %dma_wait3A_215 = tpu.memref_squeeze %dma_wait3A_214 : memref<1x128x16xf32, #tpu.memory_space<vmem>> -> memref<128x16xf32, #tpu.memory_space<vmem>>
        %dma_wait3A_216 = arith.constant 0 : i32
        %dma_wait3A_217 = tpu.memref_slice %arg7[%dma_wait3A_211, %dma_wait3A_216] : memref<80x128xi32, #tpu.memory_space<vmem>> -> memref<1x128xi32, #tpu.memory_space<vmem>>
        %dma_wait3A_218 = tpu.memref_squeeze %dma_wait3A_217 : memref<1x128xi32, #tpu.memory_space<vmem>> -> memref<128xi32, #tpu.memory_space<vmem>>
        %dma_wait3A_219 = arith.constant 0 : i32
        %dma_wait3A_220 = arith.constant 0 : i32
        %dma_wait3A_221 = tpu.memref_slice %arg9[%dma_wait3A_219, %dma_wait3A_220] : memref<10240x16xf32, #tpu.memory_space<vmem_shared>> -> memref<10240x16xf32, #tpu.memory_space<vmem_shared>>
        tpu.wait_indirect_dma semaphore(%arg18 : memref<!tpu.dma_semaphore, #tpu.memory_space<semaphore_mem>>) src(%dma_wait3A_215 : memref<128x16xf32, #tpu.memory_space<vmem>>) dst(%dma_wait3A_221 : memref<10240x16xf32, #tpu.memory_space<vmem_shared>>)
      } else {
      }
      %add3A_74 = arith.constant 3 : i32
      %add3A_75 = arith.addi %add3A_71, %add3A_74 : i32
      %lt3A = arith.constant 80 : i32
      %lt3A_76 = arith.cmpi slt, %add3A_75, %lt3A : i32
      %convert_element_type3A_77 = arith.extui %lt3A_76 : i1 to i32
      %cond3A_78 = arith.constant 0 : i32
      %cond3A_79 = arith.cmpi ne, %convert_element_type3A_77, %cond3A_78 : i32
      scf.if %cond3A_79 {
        %add3A_210 = arith.constant 3 : i32
        %add3A_211 = arith.addi %add3A_71, %add3A_210 : i32
        %dma_start3A_212 = arith.constant 3 : i32
        %dma_start3A_213 = arith.constant 0 : i32
        %dma_start3A_214 = arith.constant 0 : i32
        %dma_start3A_215 = tpu.memref_slice %arg8[%dma_start3A_212, %dma_start3A_213, %dma_start3A_214] : memref<4x128x16xf32, #tpu.memory_space<vmem>> -> memref<1x128x16xf32, #tpu.memory_space<vmem>>
        %dma_start3A_216 = tpu.memref_squeeze %dma_start3A_215 : memref<1x128x16xf32, #tpu.memory_space<vmem>> -> memref<128x16xf32, #tpu.memory_space<vmem>>
        %dma_start3A_217 = arith.constant 0 : i32
        %dma_start3A_218 = tpu.memref_slice %arg6[%add3A_211, %dma_start3A_217] : memref<80x128xi32, #tpu.memory_space<vmem>> -> memref<1x128xi32, #tpu.memory_space<vmem>>
        %dma_start3A_219 = tpu.memref_squeeze %dma_start3A_218 : memref<1x128xi32, #tpu.memory_space<vmem>> -> memref<128xi32, #tpu.memory_space<vmem>>
        %dma_start3A_220 = arith.constant 0 : i32
        %dma_start3A_221 = arith.constant 0 : i32
        %dma_start3A_222 = tpu.memref_slice %arg10[%dma_start3A_220, %dma_start3A_221] : memref<10000x16xf32, #tpu.memory_space<vmem_shared>> -> memref<10000x16xf32, #tpu.memory_space<vmem_shared>>
        tpu.enqueue_indirect_dma source(%dma_start3A_222 : memref<10000x16xf32, #tpu.memory_space<vmem_shared>>) target(%dma_start3A_216 : memref<128x16xf32, #tpu.memory_space<vmem>>) offsets(%dma_start3A_219 : memref<128xi32, #tpu.memory_space<vmem>>) semaphore(%arg14 : memref<!tpu.dma_semaphore, #tpu.memory_space<semaphore_mem>>)
      } else {
      }
      %dma_wait3A_80 = arith.constant 0 : i32
      %dma_wait3A_81 = arith.constant 0 : i32
      %dma_wait3A_82 = arith.constant 0 : i32
      %dma_wait3A_83 = tpu.memref_slice %arg8[%dma_wait3A_80, %dma_wait3A_81, %dma_wait3A_82] : memref<4x128x16xf32, #tpu.memory_space<vmem>> -> memref<1x128x16xf32, #tpu.memory_space<vmem>>
      %dma_wait3A_84 = tpu.memref_squeeze %dma_wait3A_83 : memref<1x128x16xf32, #tpu.memory_space<vmem>> -> memref<128x16xf32, #tpu.memory_space<vmem>>
      %dma_wait3A_85 = arith.constant 0 : i32
      %dma_wait3A_86 = tpu.memref_slice %arg6[%add3A_71, %dma_wait3A_85] : memref<80x128xi32, #tpu.memory_space<vmem>> -> memref<1x128xi32, #tpu.memory_space<vmem>>
      %dma_wait3A_87 = tpu.memref_squeeze %dma_wait3A_86 : memref<1x128xi32, #tpu.memory_space<vmem>> -> memref<128xi32, #tpu.memory_space<vmem>>
      %dma_wait3A_88 = arith.constant 0 : i32
      %dma_wait3A_89 = arith.constant 0 : i32
      %dma_wait3A_90 = tpu.memref_slice %arg10[%dma_wait3A_88, %dma_wait3A_89] : memref<10000x16xf32, #tpu.memory_space<vmem_shared>> -> memref<10000x16xf32, #tpu.memory_space<vmem_shared>>
      tpu.wait_indirect_dma semaphore(%arg11 : memref<!tpu.dma_semaphore, #tpu.memory_space<semaphore_mem>>) src(%dma_wait3A_90 : memref<10000x16xf32, #tpu.memory_space<vmem_shared>>) dst(%dma_wait3A_84 : memref<128x16xf32, #tpu.memory_space<vmem>>)
      %dma_start3A_91 = arith.constant 0 : i32
      %dma_start3A_92 = arith.constant 0 : i32
      %dma_start3A_93 = arith.constant 0 : i32
      %dma_start3A_94 = tpu.memref_slice %arg8[%dma_start3A_91, %dma_start3A_92, %dma_start3A_93] : memref<4x128x16xf32, #tpu.memory_space<vmem>> -> memref<1x128x16xf32, #tpu.memory_space<vmem>>
      %dma_start3A_95 = tpu.memref_squeeze %dma_start3A_94 : memref<1x128x16xf32, #tpu.memory_space<vmem>> -> memref<128x16xf32, #tpu.memory_space<vmem>>
      %dma_start3A_96 = arith.constant 0 : i32
      %dma_start3A_97 = tpu.memref_slice %arg7[%add3A_71, %dma_start3A_96] : memref<80x128xi32, #tpu.memory_space<vmem>> -> memref<1x128xi32, #tpu.memory_space<vmem>>
      %dma_start3A_98 = tpu.memref_squeeze %dma_start3A_97 : memref<1x128xi32, #tpu.memory_space<vmem>> -> memref<128xi32, #tpu.memory_space<vmem>>
      %dma_start3A_99 = arith.constant 0 : i32
      %dma_start3A_100 = arith.constant 0 : i32
      %dma_start3A_101 = tpu.memref_slice %arg9[%dma_start3A_99, %dma_start3A_100] : memref<10240x16xf32, #tpu.memory_space<vmem_shared>> -> memref<10240x16xf32, #tpu.memory_space<vmem_shared>>
      tpu.enqueue_indirect_dma source(%dma_start3A_95 : memref<128x16xf32, #tpu.memory_space<vmem>>) target(%dma_start3A_101 : memref<10240x16xf32, #tpu.memory_space<vmem_shared>>) offsets(%dma_start3A_98 : memref<128xi32, #tpu.memory_space<vmem>>) semaphore(%arg15 : memref<!tpu.dma_semaphore, #tpu.memory_space<semaphore_mem>>) {add = true}
      %add3A_102 = arith.constant 1 : i32
      %add3A_103 = arith.addi %add3A_69, %add3A_102 : i32
      %gt3A_104 = arith.constant 0 : i32
      %gt3A_105 = arith.cmpi sgt, %add3A_103, %gt3A_104 : i32
      %convert_element_type3A_106 = arith.extui %gt3A_105 : i1 to i32
      %cond3A_107 = arith.constant 0 : i32
      %cond3A_108 = arith.cmpi ne, %convert_element_type3A_106, %cond3A_107 : i32
      scf.if %cond3A_108 {
        %dma_wait3A_210 = arith.constant 0 : i32
        %dma_wait3A_211 = arith.constant 0 : i32
        %dma_wait3A_212 = arith.constant 0 : i32
        %dma_wait3A_213 = arith.constant 0 : i32
        %dma_wait3A_214 = tpu.memref_slice %arg8[%dma_wait3A_210, %dma_wait3A_212, %dma_wait3A_213] : memref<4x128x16xf32, #tpu.memory_space<vmem>> -> memref<1x128x16xf32, #tpu.memory_space<vmem>>
        %dma_wait3A_215 = tpu.memref_squeeze %dma_wait3A_214 : memref<1x128x16xf32, #tpu.memory_space<vmem>> -> memref<128x16xf32, #tpu.memory_space<vmem>>
        %dma_wait3A_216 = arith.constant 0 : i32
        %dma_wait3A_217 = tpu.memref_slice %arg7[%dma_wait3A_211, %dma_wait3A_216] : memref<80x128xi32, #tpu.memory_space<vmem>> -> memref<1x128xi32, #tpu.memory_space<vmem>>
        %dma_wait3A_218 = tpu.memref_squeeze %dma_wait3A_217 : memref<1x128xi32, #tpu.memory_space<vmem>> -> memref<128xi32, #tpu.memory_space<vmem>>
        %dma_wait3A_219 = arith.constant 0 : i32
        %dma_wait3A_220 = arith.constant 0 : i32
        %dma_wait3A_221 = tpu.memref_slice %arg9[%dma_wait3A_219, %dma_wait3A_220] : memref<10240x16xf32, #tpu.memory_space<vmem_shared>> -> memref<10240x16xf32, #tpu.memory_space<vmem_shared>>
        tpu.wait_indirect_dma semaphore(%arg15 : memref<!tpu.dma_semaphore, #tpu.memory_space<semaphore_mem>>) src(%dma_wait3A_215 : memref<128x16xf32, #tpu.memory_space<vmem>>) dst(%dma_wait3A_221 : memref<10240x16xf32, #tpu.memory_space<vmem_shared>>)
      } else {
      }
      %add3A_109 = arith.constant 3 : i32
      %add3A_110 = arith.addi %add3A_103, %add3A_109 : i32
      %lt3A_111 = arith.constant 80 : i32
      %lt3A_112 = arith.cmpi slt, %add3A_110, %lt3A_111 : i32
      %convert_element_type3A_113 = arith.extui %lt3A_112 : i1 to i32
      %cond3A_114 = arith.constant 0 : i32
      %cond3A_115 = arith.cmpi ne, %convert_element_type3A_113, %cond3A_114 : i32
      scf.if %cond3A_115 {
        %add3A_210 = arith.constant 3 : i32
        %add3A_211 = arith.addi %add3A_103, %add3A_210 : i32
        %dma_start3A_212 = arith.constant 0 : i32
        %dma_start3A_213 = arith.constant 0 : i32
        %dma_start3A_214 = arith.constant 0 : i32
        %dma_start3A_215 = tpu.memref_slice %arg8[%dma_start3A_212, %dma_start3A_213, %dma_start3A_214] : memref<4x128x16xf32, #tpu.memory_space<vmem>> -> memref<1x128x16xf32, #tpu.memory_space<vmem>>
        %dma_start3A_216 = tpu.memref_squeeze %dma_start3A_215 : memref<1x128x16xf32, #tpu.memory_space<vmem>> -> memref<128x16xf32, #tpu.memory_space<vmem>>
        %dma_start3A_217 = arith.constant 0 : i32
        %dma_start3A_218 = tpu.memref_slice %arg6[%add3A_211, %dma_start3A_217] : memref<80x128xi32, #tpu.memory_space<vmem>> -> memref<1x128xi32, #tpu.memory_space<vmem>>
        %dma_start3A_219 = tpu.memref_squeeze %dma_start3A_218 : memref<1x128xi32, #tpu.memory_space<vmem>> -> memref<128xi32, #tpu.memory_space<vmem>>
        %dma_start3A_220 = arith.constant 0 : i32
        %dma_start3A_221 = arith.constant 0 : i32
        %dma_start3A_222 = tpu.memref_slice %arg10[%dma_start3A_220, %dma_start3A_221] : memref<10000x16xf32, #tpu.memory_space<vmem_shared>> -> memref<10000x16xf32, #tpu.memory_space<vmem_shared>>
        tpu.enqueue_indirect_dma source(%dma_start3A_222 : memref<10000x16xf32, #tpu.memory_space<vmem_shared>>) target(%dma_start3A_216 : memref<128x16xf32, #tpu.memory_space<vmem>>) offsets(%dma_start3A_219 : memref<128xi32, #tpu.memory_space<vmem>>) semaphore(%arg11 : memref<!tpu.dma_semaphore, #tpu.memory_space<semaphore_mem>>)
      } else {
      }
      %dma_wait3A_116 = arith.constant 1 : i32
      %dma_wait3A_117 = arith.constant 0 : i32
      %dma_wait3A_118 = arith.constant 0 : i32
      %dma_wait3A_119 = tpu.memref_slice %arg8[%dma_wait3A_116, %dma_wait3A_117, %dma_wait3A_118] : memref<4x128x16xf32, #tpu.memory_space<vmem>> -> memref<1x128x16xf32, #tpu.memory_space<vmem>>
      %dma_wait3A_120 = tpu.memref_squeeze %dma_wait3A_119 : memref<1x128x16xf32, #tpu.memory_space<vmem>> -> memref<128x16xf32, #tpu.memory_space<vmem>>
      %dma_wait3A_121 = arith.constant 0 : i32
      %dma_wait3A_122 = tpu.memref_slice %arg6[%add3A_103, %dma_wait3A_121] : memref<80x128xi32, #tpu.memory_space<vmem>> -> memref<1x128xi32, #tpu.memory_space<vmem>>
      %dma_wait3A_123 = tpu.memref_squeeze %dma_wait3A_122 : memref<1x128xi32, #tpu.memory_space<vmem>> -> memref<128xi32, #tpu.memory_space<vmem>>
      %dma_wait3A_124 = arith.constant 0 : i32
      %dma_wait3A_125 = arith.constant 0 : i32
      %dma_wait3A_126 = tpu.memref_slice %arg10[%dma_wait3A_124, %dma_wait3A_125] : memref<10000x16xf32, #tpu.memory_space<vmem_shared>> -> memref<10000x16xf32, #tpu.memory_space<vmem_shared>>
      tpu.wait_indirect_dma semaphore(%arg12 : memref<!tpu.dma_semaphore, #tpu.memory_space<semaphore_mem>>) src(%dma_wait3A_126 : memref<10000x16xf32, #tpu.memory_space<vmem_shared>>) dst(%dma_wait3A_120 : memref<128x16xf32, #tpu.memory_space<vmem>>)
      %dma_start3A_127 = arith.constant 1 : i32
      %dma_start3A_128 = arith.constant 0 : i32
      %dma_start3A_129 = arith.constant 0 : i32
      %dma_start3A_130 = tpu.memref_slice %arg8[%dma_start3A_127, %dma_start3A_128, %dma_start3A_129] : memref<4x128x16xf32, #tpu.memory_space<vmem>> -> memref<1x128x16xf32, #tpu.memory_space<vmem>>
      %dma_start3A_131 = tpu.memref_squeeze %dma_start3A_130 : memref<1x128x16xf32, #tpu.memory_space<vmem>> -> memref<128x16xf32, #tpu.memory_space<vmem>>
      %dma_start3A_132 = arith.constant 0 : i32
      %dma_start3A_133 = tpu.memref_slice %arg7[%add3A_103, %dma_start3A_132] : memref<80x128xi32, #tpu.memory_space<vmem>> -> memref<1x128xi32, #tpu.memory_space<vmem>>
      %dma_start3A_134 = tpu.memref_squeeze %dma_start3A_133 : memref<1x128xi32, #tpu.memory_space<vmem>> -> memref<128xi32, #tpu.memory_space<vmem>>
      %dma_start3A_135 = arith.constant 0 : i32
      %dma_start3A_136 = arith.constant 0 : i32
      %dma_start3A_137 = tpu.memref_slice %arg9[%dma_start3A_135, %dma_start3A_136] : memref<10240x16xf32, #tpu.memory_space<vmem_shared>> -> memref<10240x16xf32, #tpu.memory_space<vmem_shared>>
      tpu.enqueue_indirect_dma source(%dma_start3A_131 : memref<128x16xf32, #tpu.memory_space<vmem>>) target(%dma_start3A_137 : memref<10240x16xf32, #tpu.memory_space<vmem_shared>>) offsets(%dma_start3A_134 : memref<128xi32, #tpu.memory_space<vmem>>) semaphore(%arg16 : memref<!tpu.dma_semaphore, #tpu.memory_space<semaphore_mem>>) {add = true}
      %add3A_138 = arith.constant 2 : i32
      %add3A_139 = arith.addi %add3A_69, %add3A_138 : i32
      %gt3A_140 = arith.constant 0 : i32
      %gt3A_141 = arith.cmpi sgt, %add3A_139, %gt3A_140 : i32
      %convert_element_type3A_142 = arith.extui %gt3A_141 : i1 to i32
      %cond3A_143 = arith.constant 0 : i32
      %cond3A_144 = arith.cmpi ne, %convert_element_type3A_142, %cond3A_143 : i32
      scf.if %cond3A_144 {
        %dma_wait3A_210 = arith.constant 1 : i32
        %dma_wait3A_211 = arith.constant 0 : i32
        %dma_wait3A_212 = arith.constant 0 : i32
        %dma_wait3A_213 = arith.constant 0 : i32
        %dma_wait3A_214 = tpu.memref_slice %arg8[%dma_wait3A_210, %dma_wait3A_212, %dma_wait3A_213] : memref<4x128x16xf32, #tpu.memory_space<vmem>> -> memref<1x128x16xf32, #tpu.memory_space<vmem>>
        %dma_wait3A_215 = tpu.memref_squeeze %dma_wait3A_214 : memref<1x128x16xf32, #tpu.memory_space<vmem>> -> memref<128x16xf32, #tpu.memory_space<vmem>>
        %dma_wait3A_216 = arith.constant 0 : i32
        %dma_wait3A_217 = tpu.memref_slice %arg7[%dma_wait3A_211, %dma_wait3A_216] : memref<80x128xi32, #tpu.memory_space<vmem>> -> memref<1x128xi32, #tpu.memory_space<vmem>>
        %dma_wait3A_218 = tpu.memref_squeeze %dma_wait3A_217 : memref<1x128xi32, #tpu.memory_space<vmem>> -> memref<128xi32, #tpu.memory_space<vmem>>
        %dma_wait3A_219 = arith.constant 0 : i32
        %dma_wait3A_220 = arith.constant 0 : i32
        %dma_wait3A_221 = tpu.memref_slice %arg9[%dma_wait3A_219, %dma_wait3A_220] : memref<10240x16xf32, #tpu.memory_space<vmem_shared>> -> memref<10240x16xf32, #tpu.memory_space<vmem_shared>>
        tpu.wait_indirect_dma semaphore(%arg16 : memref<!tpu.dma_semaphore, #tpu.memory_space<semaphore_mem>>) src(%dma_wait3A_215 : memref<128x16xf32, #tpu.memory_space<vmem>>) dst(%dma_wait3A_221 : memref<10240x16xf32, #tpu.memory_space<vmem_shared>>)
      } else {
      }
      %add3A_145 = arith.constant 3 : i32
      %add3A_146 = arith.addi %add3A_139, %add3A_145 : i32
      %lt3A_147 = arith.constant 80 : i32
      %lt3A_148 = arith.cmpi slt, %add3A_146, %lt3A_147 : i32
      %convert_element_type3A_149 = arith.extui %lt3A_148 : i1 to i32
      %cond3A_150 = arith.constant 0 : i32
      %cond3A_151 = arith.cmpi ne, %convert_element_type3A_149, %cond3A_150 : i32
      scf.if %cond3A_151 {
        %add3A_210 = arith.constant 3 : i32
        %add3A_211 = arith.addi %add3A_139, %add3A_210 : i32
        %dma_start3A_212 = arith.constant 1 : i32
        %dma_start3A_213 = arith.constant 0 : i32
        %dma_start3A_214 = arith.constant 0 : i32
        %dma_start3A_215 = tpu.memref_slice %arg8[%dma_start3A_212, %dma_start3A_213, %dma_start3A_214] : memref<4x128x16xf32, #tpu.memory_space<vmem>> -> memref<1x128x16xf32, #tpu.memory_space<vmem>>
        %dma_start3A_216 = tpu.memref_squeeze %dma_start3A_215 : memref<1x128x16xf32, #tpu.memory_space<vmem>> -> memref<128x16xf32, #tpu.memory_space<vmem>>
        %dma_start3A_217 = arith.constant 0 : i32
        %dma_start3A_218 = tpu.memref_slice %arg6[%add3A_211, %dma_start3A_217] : memref<80x128xi32, #tpu.memory_space<vmem>> -> memref<1x128xi32, #tpu.memory_space<vmem>>
        %dma_start3A_219 = tpu.memref_squeeze %dma_start3A_218 : memref<1x128xi32, #tpu.memory_space<vmem>> -> memref<128xi32, #tpu.memory_space<vmem>>
        %dma_start3A_220 = arith.constant 0 : i32
        %dma_start3A_221 = arith.constant 0 : i32
        %dma_start3A_222 = tpu.memref_slice %arg10[%dma_start3A_220, %dma_start3A_221] : memref<10000x16xf32, #tpu.memory_space<vmem_shared>> -> memref<10000x16xf32, #tpu.memory_space<vmem_shared>>
        tpu.enqueue_indirect_dma source(%dma_start3A_222 : memref<10000x16xf32, #tpu.memory_space<vmem_shared>>) target(%dma_start3A_216 : memref<128x16xf32, #tpu.memory_space<vmem>>) offsets(%dma_start3A_219 : memref<128xi32, #tpu.memory_space<vmem>>) semaphore(%arg12 : memref<!tpu.dma_semaphore, #tpu.memory_space<semaphore_mem>>)
      } else {
      }
      %dma_wait3A_152 = arith.constant 2 : i32
      %dma_wait3A_153 = arith.constant 0 : i32
      %dma_wait3A_154 = arith.constant 0 : i32
      %dma_wait3A_155 = tpu.memref_slice %arg8[%dma_wait3A_152, %dma_wait3A_153, %dma_wait3A_154] : memref<4x128x16xf32, #tpu.memory_space<vmem>> -> memref<1x128x16xf32, #tpu.memory_space<vmem>>
      %dma_wait3A_156 = tpu.memref_squeeze %dma_wait3A_155 : memref<1x128x16xf32, #tpu.memory_space<vmem>> -> memref<128x16xf32, #tpu.memory_space<vmem>>
      %dma_wait3A_157 = arith.constant 0 : i32
      %dma_wait3A_158 = tpu.memref_slice %arg6[%add3A_139, %dma_wait3A_157] : memref<80x128xi32, #tpu.memory_space<vmem>> -> memref<1x128xi32, #tpu.memory_space<vmem>>
      %dma_wait3A_159 = tpu.memref_squeeze %dma_wait3A_158 : memref<1x128xi32, #tpu.memory_space<vmem>> -> memref<128xi32, #tpu.memory_space<vmem>>
      %dma_wait3A_160 = arith.constant 0 : i32
      %dma_wait3A_161 = arith.constant 0 : i32
      %dma_wait3A_162 = tpu.memref_slice %arg10[%dma_wait3A_160, %dma_wait3A_161] : memref<10000x16xf32, #tpu.memory_space<vmem_shared>> -> memref<10000x16xf32, #tpu.memory_space<vmem_shared>>
      tpu.wait_indirect_dma semaphore(%arg13 : memref<!tpu.dma_semaphore, #tpu.memory_space<semaphore_mem>>) src(%dma_wait3A_162 : memref<10000x16xf32, #tpu.memory_space<vmem_shared>>) dst(%dma_wait3A_156 : memref<128x16xf32, #tpu.memory_space<vmem>>)
      %dma_start3A_163 = arith.constant 2 : i32
      %dma_start3A_164 = arith.constant 0 : i32
      %dma_start3A_165 = arith.constant 0 : i32
      %dma_start3A_166 = tpu.memref_slice %arg8[%dma_start3A_163, %dma_start3A_164, %dma_start3A_165] : memref<4x128x16xf32, #tpu.memory_space<vmem>> -> memref<1x128x16xf32, #tpu.memory_space<vmem>>
      %dma_start3A_167 = tpu.memref_squeeze %dma_start3A_166 : memref<1x128x16xf32, #tpu.memory_space<vmem>> -> memref<128x16xf32, #tpu.memory_space<vmem>>
      %dma_start3A_168 = arith.constant 0 : i32
      %dma_start3A_169 = tpu.memref_slice %arg7[%add3A_139, %dma_start3A_168] : memref<80x128xi32, #tpu.memory_space<vmem>> -> memref<1x128xi32, #tpu.memory_space<vmem>>
      %dma_start3A_170 = tpu.memref_squeeze %dma_start3A_169 : memref<1x128xi32, #tpu.memory_space<vmem>> -> memref<128xi32, #tpu.memory_space<vmem>>
      %dma_start3A_171 = arith.constant 0 : i32
      %dma_start3A_172 = arith.constant 0 : i32
      %dma_start3A_173 = tpu.memref_slice %arg9[%dma_start3A_171, %dma_start3A_172] : memref<10240x16xf32, #tpu.memory_space<vmem_shared>> -> memref<10240x16xf32, #tpu.memory_space<vmem_shared>>
      tpu.enqueue_indirect_dma source(%dma_start3A_167 : memref<128x16xf32, #tpu.memory_space<vmem>>) target(%dma_start3A_173 : memref<10240x16xf32, #tpu.memory_space<vmem_shared>>) offsets(%dma_start3A_170 : memref<128xi32, #tpu.memory_space<vmem>>) semaphore(%arg17 : memref<!tpu.dma_semaphore, #tpu.memory_space<semaphore_mem>>) {add = true}
      %add3A_174 = arith.constant 3 : i32
      %add3A_175 = arith.addi %add3A_69, %add3A_174 : i32
      %gt3A_176 = arith.constant 0 : i32
      %gt3A_177 = arith.cmpi sgt, %add3A_175, %gt3A_176 : i32
      %convert_element_type3A_178 = arith.extui %gt3A_177 : i1 to i32
      %cond3A_179 = arith.constant 0 : i32
      %cond3A_180 = arith.cmpi ne, %convert_element_type3A_178, %cond3A_179 : i32
      scf.if %cond3A_180 {
        %dma_wait3A_210 = arith.constant 2 : i32
        %dma_wait3A_211 = arith.constant 0 : i32
        %dma_wait3A_212 = arith.constant 0 : i32
        %dma_wait3A_213 = arith.constant 0 : i32
        %dma_wait3A_214 = tpu.memref_slice %arg8[%dma_wait3A_210, %dma_wait3A_212, %dma_wait3A_213] : memref<4x128x16xf32, #tpu.memory_space<vmem>> -> memref<1x128x16xf32, #tpu.memory_space<vmem>>
        %dma_wait3A_215 = tpu.memref_squeeze %dma_wait3A_214 : memref<1x128x16xf32, #tpu.memory_space<vmem>> -> memref<128x16xf32, #tpu.memory_space<vmem>>
        %dma_wait3A_216 = arith.constant 0 : i32
        %dma_wait3A_217 = tpu.memref_slice %arg7[%dma_wait3A_211, %dma_wait3A_216] : memref<80x128xi32, #tpu.memory_space<vmem>> -> memref<1x128xi32, #tpu.memory_space<vmem>>
        %dma_wait3A_218 = tpu.memref_squeeze %dma_wait3A_217 : memref<1x128xi32, #tpu.memory_space<vmem>> -> memref<128xi32, #tpu.memory_space<vmem>>
        %dma_wait3A_219 = arith.constant 0 : i32
        %dma_wait3A_220 = arith.constant 0 : i32
        %dma_wait3A_221 = tpu.memref_slice %arg9[%dma_wait3A_219, %dma_wait3A_220] : memref<10240x16xf32, #tpu.memory_space<vmem_shared>> -> memref<10240x16xf32, #tpu.memory_space<vmem_shared>>
        tpu.wait_indirect_dma semaphore(%arg17 : memref<!tpu.dma_semaphore, #tpu.memory_space<semaphore_mem>>) src(%dma_wait3A_215 : memref<128x16xf32, #tpu.memory_space<vmem>>) dst(%dma_wait3A_221 : memref<10240x16xf32, #tpu.memory_space<vmem_shared>>)
      } else {
      }
      %add3A_181 = arith.constant 3 : i32
      %add3A_182 = arith.addi %add3A_175, %add3A_181 : i32
      %lt3A_183 = arith.constant 80 : i32
      %lt3A_184 = arith.cmpi slt, %add3A_182, %lt3A_183 : i32
      %convert_element_type3A_185 = arith.extui %lt3A_184 : i1 to i32
      %cond3A_186 = arith.constant 0 : i32
      %cond3A_187 = arith.cmpi ne, %convert_element_type3A_185, %cond3A_186 : i32
      scf.if %cond3A_187 {
        %add3A_210 = arith.constant 3 : i32
        %add3A_211 = arith.addi %add3A_175, %add3A_210 : i32
        %dma_start3A_212 = arith.constant 2 : i32
        %dma_start3A_213 = arith.constant 0 : i32
        %dma_start3A_214 = arith.constant 0 : i32
        %dma_start3A_215 = tpu.memref_slice %arg8[%dma_start3A_212, %dma_start3A_213, %dma_start3A_214] : memref<4x128x16xf32, #tpu.memory_space<vmem>> -> memref<1x128x16xf32, #tpu.memory_space<vmem>>
        %dma_start3A_216 = tpu.memref_squeeze %dma_start3A_215 : memref<1x128x16xf32, #tpu.memory_space<vmem>> -> memref<128x16xf32, #tpu.memory_space<vmem>>
        %dma_start3A_217 = arith.constant 0 : i32
        %dma_start3A_218 = tpu.memref_slice %arg6[%add3A_211, %dma_start3A_217] : memref<80x128xi32, #tpu.memory_space<vmem>> -> memref<1x128xi32, #tpu.memory_space<vmem>>
        %dma_start3A_219 = tpu.memref_squeeze %dma_start3A_218 : memref<1x128xi32, #tpu.memory_space<vmem>> -> memref<128xi32, #tpu.memory_space<vmem>>
        %dma_start3A_220 = arith.constant 0 : i32
        %dma_start3A_221 = arith.constant 0 : i32
        %dma_start3A_222 = tpu.memref_slice %arg10[%dma_start3A_220, %dma_start3A_221] : memref<10000x16xf32, #tpu.memory_space<vmem_shared>> -> memref<10000x16xf32, #tpu.memory_space<vmem_shared>>
        tpu.enqueue_indirect_dma source(%dma_start3A_222 : memref<10000x16xf32, #tpu.memory_space<vmem_shared>>) target(%dma_start3A_216 : memref<128x16xf32, #tpu.memory_space<vmem>>) offsets(%dma_start3A_219 : memref<128xi32, #tpu.memory_space<vmem>>) semaphore(%arg13 : memref<!tpu.dma_semaphore, #tpu.memory_space<semaphore_mem>>)
      } else {
      }
      %dma_wait3A_188 = arith.constant 3 : i32
      %dma_wait3A_189 = arith.constant 0 : i32
      %dma_wait3A_190 = arith.constant 0 : i32
      %dma_wait3A_191 = tpu.memref_slice %arg8[%dma_wait3A_188, %dma_wait3A_189, %dma_wait3A_190] : memref<4x128x16xf32, #tpu.memory_space<vmem>> -> memref<1x128x16xf32, #tpu.memory_space<vmem>>
      %dma_wait3A_192 = tpu.memref_squeeze %dma_wait3A_191 : memref<1x128x16xf32, #tpu.memory_space<vmem>> -> memref<128x16xf32, #tpu.memory_space<vmem>>
      %dma_wait3A_193 = arith.constant 0 : i32
      %dma_wait3A_194 = tpu.memref_slice %arg6[%add3A_175, %dma_wait3A_193] : memref<80x128xi32, #tpu.memory_space<vmem>> -> memref<1x128xi32, #tpu.memory_space<vmem>>
      %dma_wait3A_195 = tpu.memref_squeeze %dma_wait3A_194 : memref<1x128xi32, #tpu.memory_space<vmem>> -> memref<128xi32, #tpu.memory_space<vmem>>
      %dma_wait3A_196 = arith.constant 0 : i32
      %dma_wait3A_197 = arith.constant 0 : i32
      %dma_wait3A_198 = tpu.memref_slice %arg10[%dma_wait3A_196, %dma_wait3A_197] : memref<10000x16xf32, #tpu.memory_space<vmem_shared>> -> memref<10000x16xf32, #tpu.memory_space<vmem_shared>>
      tpu.wait_indirect_dma semaphore(%arg14 : memref<!tpu.dma_semaphore, #tpu.memory_space<semaphore_mem>>) src(%dma_wait3A_198 : memref<10000x16xf32, #tpu.memory_space<vmem_shared>>) dst(%dma_wait3A_192 : memref<128x16xf32, #tpu.memory_space<vmem>>)
      %dma_start3A_199 = arith.constant 3 : i32
      %dma_start3A_200 = arith.constant 0 : i32
      %dma_start3A_201 = arith.constant 0 : i32
      %dma_start3A_202 = tpu.memref_slice %arg8[%dma_start3A_199, %dma_start3A_200, %dma_start3A_201] : memref<4x128x16xf32, #tpu.memory_space<vmem>> -> memref<1x128x16xf32, #tpu.memory_space<vmem>>
      %dma_start3A_203 = tpu.memref_squeeze %dma_start3A_202 : memref<1x128x16xf32, #tpu.memory_space<vmem>> -> memref<128x16xf32, #tpu.memory_space<vmem>>
      %dma_start3A_204 = arith.constant 0 : i32
      %dma_start3A_205 = tpu.memref_slice %arg7[%add3A_175, %dma_start3A_204] : memref<80x128xi32, #tpu.memory_space<vmem>> -> memref<1x128xi32, #tpu.memory_space<vmem>>
      %dma_start3A_206 = tpu.memref_squeeze %dma_start3A_205 : memref<1x128xi32, #tpu.memory_space<vmem>> -> memref<128xi32, #tpu.memory_space<vmem>>
      %dma_start3A_207 = arith.constant 0 : i32
      %dma_start3A_208 = arith.constant 0 : i32
      %dma_start3A_209 = tpu.memref_slice %arg9[%dma_start3A_207, %dma_start3A_208] : memref<10240x16xf32, #tpu.memory_space<vmem_shared>> -> memref<10240x16xf32, #tpu.memory_space<vmem_shared>>
      tpu.enqueue_indirect_dma source(%dma_start3A_203 : memref<128x16xf32, #tpu.memory_space<vmem>>) target(%dma_start3A_209 : memref<10240x16xf32, #tpu.memory_space<vmem_shared>>) offsets(%dma_start3A_206 : memref<128xi32, #tpu.memory_space<vmem>>) semaphore(%arg18 : memref<!tpu.dma_semaphore, #tpu.memory_space<semaphore_mem>>) {add = true}
    }
    %scan3A_48 = arith.constant 20 : i32
    %dma_wait3A = arith.constant 3 : i32
    %dma_wait3A_49 = arith.constant 0 : i32
    %dma_wait3A_50 = arith.constant 0 : i32
    %dma_wait3A_51 = arith.constant 0 : i32
    %dma_wait3A_52 = tpu.memref_slice %arg8[%dma_wait3A, %dma_wait3A_50, %dma_wait3A_51] : memref<4x128x16xf32, #tpu.memory_space<vmem>> -> memref<1x128x16xf32, #tpu.memory_space<vmem>>
    %dma_wait3A_53 = tpu.memref_squeeze %dma_wait3A_52 : memref<1x128x16xf32, #tpu.memory_space<vmem>> -> memref<128x16xf32, #tpu.memory_space<vmem>>
    %dma_wait3A_54 = arith.constant 0 : i32
    %dma_wait3A_55 = tpu.memref_slice %arg7[%dma_wait3A_49, %dma_wait3A_54] : memref<80x128xi32, #tpu.memory_space<vmem>> -> memref<1x128xi32, #tpu.memory_space<vmem>>
    %dma_wait3A_56 = tpu.memref_squeeze %dma_wait3A_55 : memref<1x128xi32, #tpu.memory_space<vmem>> -> memref<128xi32, #tpu.memory_space<vmem>>
    %dma_wait3A_57 = arith.constant 0 : i32
    %dma_wait3A_58 = arith.constant 0 : i32
    %dma_wait3A_59 = tpu.memref_slice %arg9[%dma_wait3A_57, %dma_wait3A_58] : memref<10240x16xf32, #tpu.memory_space<vmem_shared>> -> memref<10240x16xf32, #tpu.memory_space<vmem_shared>>
    tpu.wait_indirect_dma semaphore(%arg18 : memref<!tpu.dma_semaphore, #tpu.memory_space<semaphore_mem>>) src(%dma_wait3A_53 : memref<128x16xf32, #tpu.memory_space<vmem>>) dst(%dma_wait3A_59 : memref<10240x16xf32, #tpu.memory_space<vmem_shared>>)
    %barrier3A_60 = arith.constant 0 : index
    tpu.barrier barrier_id(%barrier3A_60)
    %mul3A_61 = arith.constant 640 : i32
    %mul3A_62 = arith.muli %arg1, %mul3A_61 : i32
    %mul3A_63 = arith.constant 640 : i32
    %mul3A_64 = arith.muli %arg1, %mul3A_63 : i32
    "tpu.region"() ({
      %run_scoped3A_65 = tpu.sem_alloc : memref<!tpu.dma_semaphore, #tpu.memory_space<semaphore_mem>>
      %dma_start3A_66 = arith.constant 0 : i32
      %dma_start3A_67 = tpu.memref_slice %arg5[%arg0, %mul3A_64, %dma_start3A_66] : memref<2x10240x16xf32, #tpu.memory_space<hbm>> -> memref<1x640x16xf32, #tpu.memory_space<hbm>>
      %dma_start3A_68 = tpu.memref_squeeze %dma_start3A_67 : memref<1x640x16xf32, #tpu.memory_space<hbm>> -> memref<640x16xf32, #tpu.memory_space<hbm>>
      %dma_start3A_69 = arith.constant 0 : i32
      %dma_start3A_70 = tpu.memref_slice %arg9[%mul3A_62, %dma_start3A_69] : memref<10240x16xf32, #tpu.memory_space<vmem_shared>> -> memref<640x16xf32, #tpu.memory_space<vmem_shared>>
      tpu.enqueue_dma source(%dma_start3A_70 : memref<640x16xf32, #tpu.memory_space<vmem_shared>>) target(%dma_start3A_68 : memref<640x16xf32, #tpu.memory_space<hbm>>) target_semaphore(%run_scoped3A_65 : memref<!tpu.dma_semaphore, #tpu.memory_space<semaphore_mem>>)
      %dma_wait3A_71 = arith.constant 0 : i32
      %dma_wait3A_72 = tpu.memref_slice %arg5[%arg0, %mul3A_64, %dma_wait3A_71] : memref<2x10240x16xf32, #tpu.memory_space<hbm>> -> memref<1x640x16xf32, #tpu.memory_space<hbm>>
      %dma_wait3A_73 = tpu.memref_squeeze %dma_wait3A_72 : memref<1x640x16xf32, #tpu.memory_space<hbm>> -> memref<640x16xf32, #tpu.memory_space<hbm>>
      %dma_wait3A_74 = arith.constant 0 : i32
      %dma_wait3A_75 = tpu.memref_slice %arg9[%mul3A_62, %dma_wait3A_74] : memref<10240x16xf32, #tpu.memory_space<vmem_shared>> -> memref<640x16xf32, #tpu.memory_space<vmem_shared>>
      tpu.wait_dma2 semaphore(%run_scoped3A_65 : memref<!tpu.dma_semaphore, #tpu.memory_space<semaphore_mem>>) src(%dma_wait3A_75 : memref<640x16xf32, #tpu.memory_space<vmem_shared>>) dst(%dma_wait3A_73 : memref<640x16xf32, #tpu.memory_space<hbm>>)
      tpu.yield
    }) : () -> ()
    return
  }
}

#map = affine_map<(d0, d1) -> (0, 0, 0, 0)>
#map1 = affine_map<(d0, d1) -> (0, 0)>
#map2 = affine_map<(d0, d1) -> (0, 0, 0)>
module attributes {stable_mosaic.version = 14 : i64} {
  func.func @deg_kernel(%arg0: i32, %arg1: i32, %arg2: memref<2x32x80x128xi32, #tpu.memory_space<hbm>>, %arg3: memref<10240x16xf32, #tpu.memory_space<hbm>>, %arg4: memref<128x16xf32, #tpu.memory_space<hbm>>, %arg5: memref<2x10240x16xf32, #tpu.memory_space<hbm>>, %arg6: memref<80x128xi32, #tpu.memory_space<vmem>>, %arg7: memref<128x16xf32, #tpu.memory_space<vmem>>, %arg8: memref<10240x16xf32, #tpu.memory_space<vmem_shared>>, %arg9: memref<!tpu.dma_semaphore, #tpu.memory_space<semaphore_mem>>) attributes {dimension_semantics = [#tpu.dimension_semantics<core_parallel>, #tpu.dimension_semantics<subcore_parallel>], iteration_bounds = array<i64: 2, 16>, scalar_prefetch = 0 : i64, scratch_operands = 4 : i64, tpu.core_type = #tpu.core_type<sc_vector_subcore>, window_params = [{transform_indices = #map}, {transform_indices = #map1}, {transform_indices = #map1}, {transform_indices = #map2}]} {
    %mul3A = arith.constant 2 : i32
    %mul3A_0 = arith.muli %arg1, %mul3A : i32
    %add3A = arith.addi %mul3A_0, %arg0 : i32
    %run_scoped3A = arith.constant 1 : i32
    "tpu.region"() ({
      %run_scoped3A_19 = tpu.sem_alloc : memref<!tpu.dma_semaphore, #tpu.memory_space<semaphore_mem>>
      %dma_start3A = arith.constant 0 : i32
      %dma_start3A_20 = arith.constant 0 : i32
      %dma_start3A_21 = tpu.memref_slice %arg2[%run_scoped3A, %add3A, %dma_start3A, %dma_start3A_20] : memref<2x32x80x128xi32, #tpu.memory_space<hbm>> -> memref<1x1x80x128xi32, #tpu.memory_space<hbm>>
      %dma_start3A_22 = tpu.memref_squeeze %dma_start3A_21 : memref<1x1x80x128xi32, #tpu.memory_space<hbm>> -> memref<80x128xi32, #tpu.memory_space<hbm>>
      %dma_start3A_23 = arith.constant 0 : i32
      %dma_start3A_24 = arith.constant 0 : i32
      %dma_start3A_25 = tpu.memref_slice %arg2[%run_scoped3A, %add3A, %dma_start3A_23, %dma_start3A_24] : memref<2x32x80x128xi32, #tpu.memory_space<hbm>> -> memref<1x1x80x128xi32, #tpu.memory_space<hbm>>
      %dma_start3A_26 = tpu.memref_squeeze %dma_start3A_25 : memref<1x1x80x128xi32, #tpu.memory_space<hbm>> -> memref<80x128xi32, #tpu.memory_space<hbm>>
      tpu.enqueue_dma source(%dma_start3A_26 : memref<80x128xi32, #tpu.memory_space<hbm>>) target(%arg6 : memref<80x128xi32, #tpu.memory_space<vmem>>) target_semaphore(%run_scoped3A_19 : memref<!tpu.dma_semaphore, #tpu.memory_space<semaphore_mem>>)
      %dma_wait3A = arith.constant 0 : i32
      %dma_wait3A_27 = arith.constant 0 : i32
      %dma_wait3A_28 = tpu.memref_slice %arg2[%run_scoped3A, %add3A, %dma_wait3A, %dma_wait3A_27] : memref<2x32x80x128xi32, #tpu.memory_space<hbm>> -> memref<1x1x80x128xi32, #tpu.memory_space<hbm>>
      %dma_wait3A_29 = tpu.memref_squeeze %dma_wait3A_28 : memref<1x1x80x128xi32, #tpu.memory_space<hbm>> -> memref<80x128xi32, #tpu.memory_space<hbm>>
      %dma_wait3A_30 = arith.constant 0 : i32
      %dma_wait3A_31 = arith.constant 0 : i32
      %dma_wait3A_32 = tpu.memref_slice %arg2[%run_scoped3A, %add3A, %dma_wait3A_30, %dma_wait3A_31] : memref<2x32x80x128xi32, #tpu.memory_space<hbm>> -> memref<1x1x80x128xi32, #tpu.memory_space<hbm>>
      %dma_wait3A_33 = tpu.memref_squeeze %dma_wait3A_32 : memref<1x1x80x128xi32, #tpu.memory_space<hbm>> -> memref<80x128xi32, #tpu.memory_space<hbm>>
      tpu.wait_dma2 semaphore(%run_scoped3A_19 : memref<!tpu.dma_semaphore, #tpu.memory_space<semaphore_mem>>) src(%dma_wait3A_33 : memref<80x128xi32, #tpu.memory_space<hbm>>) dst(%arg6 : memref<80x128xi32, #tpu.memory_space<vmem>>)
      tpu.yield
    }) : () -> ()
    "tpu.region"() ({
      %run_scoped3A_19 = tpu.sem_alloc : memref<!tpu.dma_semaphore, #tpu.memory_space<semaphore_mem>>
      tpu.enqueue_dma source(%arg4 : memref<128x16xf32, #tpu.memory_space<hbm>>) target(%arg7 : memref<128x16xf32, #tpu.memory_space<vmem>>) target_semaphore(%run_scoped3A_19 : memref<!tpu.dma_semaphore, #tpu.memory_space<semaphore_mem>>)
      tpu.wait_dma2 semaphore(%run_scoped3A_19 : memref<!tpu.dma_semaphore, #tpu.memory_space<semaphore_mem>>) src(%arg4 : memref<128x16xf32, #tpu.memory_space<hbm>>) dst(%arg7 : memref<128x16xf32, #tpu.memory_space<vmem>>)
      tpu.yield
    }) : () -> ()
    %mul3A_1 = arith.constant 640 : i32
    %mul3A_2 = arith.muli %arg1, %mul3A_1 : i32
    %mul3A_3 = arith.constant 640 : i32
    %mul3A_4 = arith.muli %arg1, %mul3A_3 : i32
    "tpu.region"() ({
      %run_scoped3A_19 = tpu.sem_alloc : memref<!tpu.dma_semaphore, #tpu.memory_space<semaphore_mem>>
      %dma_start3A = arith.constant 0 : i32
      %dma_start3A_20 = tpu.memref_slice %arg8[%mul3A_4, %dma_start3A] : memref<10240x16xf32, #tpu.memory_space<vmem_shared>> -> memref<640x16xf32, #tpu.memory_space<vmem_shared>>
      %dma_start3A_21 = arith.constant 0 : i32
      %dma_start3A_22 = tpu.memref_slice %arg3[%mul3A_2, %dma_start3A_21] : memref<10240x16xf32, #tpu.memory_space<hbm>> -> memref<640x16xf32, #tpu.memory_space<hbm>>
      tpu.enqueue_dma source(%dma_start3A_22 : memref<640x16xf32, #tpu.memory_space<hbm>>) target(%dma_start3A_20 : memref<640x16xf32, #tpu.memory_space<vmem_shared>>) target_semaphore(%run_scoped3A_19 : memref<!tpu.dma_semaphore, #tpu.memory_space<semaphore_mem>>)
      %dma_wait3A = arith.constant 0 : i32
      %dma_wait3A_23 = tpu.memref_slice %arg8[%mul3A_4, %dma_wait3A] : memref<10240x16xf32, #tpu.memory_space<vmem_shared>> -> memref<640x16xf32, #tpu.memory_space<vmem_shared>>
      %dma_wait3A_24 = arith.constant 0 : i32
      %dma_wait3A_25 = tpu.memref_slice %arg3[%mul3A_2, %dma_wait3A_24] : memref<10240x16xf32, #tpu.memory_space<hbm>> -> memref<640x16xf32, #tpu.memory_space<hbm>>
      tpu.wait_dma2 semaphore(%run_scoped3A_19 : memref<!tpu.dma_semaphore, #tpu.memory_space<semaphore_mem>>) src(%dma_wait3A_25 : memref<640x16xf32, #tpu.memory_space<hbm>>) dst(%dma_wait3A_23 : memref<640x16xf32, #tpu.memory_space<vmem_shared>>)
      tpu.yield
    }) : () -> ()
    %barrier3A = arith.constant 0 : index
    tpu.barrier barrier_id(%barrier3A)
    %scan3A = arith.constant 0 : i32
    %scan3A_5 = arith.constant 80 : i32
    %scan3A_6 = arith.addi %scan3A, %scan3A_5 : i32
    %scan3A_7 = arith.constant 1 : i32
    scf.for %scan3A_19 = %scan3A to %scan3A_6 step %scan3A_7  : i32 {
      %mul3A_20 = arith.constant 1 : i32
      %mul3A_21 = arith.muli %scan3A_19, %mul3A_20 : i32
      %add3A_22 = arith.constant 0 : i32
      %add3A_23 = arith.addi %add3A_22, %mul3A_21 : i32
      %dma_start3A = arith.constant 0 : i32
      %dma_start3A_24 = tpu.memref_slice %arg6[%add3A_23, %dma_start3A] : memref<80x128xi32, #tpu.memory_space<vmem>> -> memref<1x128xi32, #tpu.memory_space<vmem>>
      %dma_start3A_25 = tpu.memref_squeeze %dma_start3A_24 : memref<1x128xi32, #tpu.memory_space<vmem>> -> memref<128xi32, #tpu.memory_space<vmem>>
      %dma_start3A_26 = arith.constant 0 : i32
      %dma_start3A_27 = arith.constant 0 : i32
      %dma_start3A_28 = tpu.memref_slice %arg8[%dma_start3A_26, %dma_start3A_27] : memref<10240x16xf32, #tpu.memory_space<vmem_shared>> -> memref<10240x16xf32, #tpu.memory_space<vmem_shared>>
      tpu.enqueue_indirect_dma source(%arg7 : memref<128x16xf32, #tpu.memory_space<vmem>>) target(%dma_start3A_28 : memref<10240x16xf32, #tpu.memory_space<vmem_shared>>) offsets(%dma_start3A_25 : memref<128xi32, #tpu.memory_space<vmem>>) semaphore(%arg9 : memref<!tpu.dma_semaphore, #tpu.memory_space<semaphore_mem>>) {add = true}
    }
    %scan3A_8 = arith.constant 80 : i32
    %scan3A_9 = arith.constant 0 : i32
    %scan3A_10 = arith.constant 80 : i32
    %scan3A_11 = arith.addi %scan3A_9, %scan3A_10 : i32
    %scan3A_12 = arith.constant 1 : i32
    scf.for %scan3A_19 = %scan3A_9 to %scan3A_11 step %scan3A_12  : i32 {
      %mul3A_20 = arith.constant 1 : i32
      %mul3A_21 = arith.muli %scan3A_19, %mul3A_20 : i32
      %add3A_22 = arith.constant 0 : i32
      %add3A_23 = arith.addi %add3A_22, %mul3A_21 : i32
      %dma_wait3A = arith.constant 0 : i32
      %dma_wait3A_24 = arith.constant 0 : i32
      %dma_wait3A_25 = tpu.memref_slice %arg6[%dma_wait3A, %dma_wait3A_24] : memref<80x128xi32, #tpu.memory_space<vmem>> -> memref<1x128xi32, #tpu.memory_space<vmem>>
      %dma_wait3A_26 = tpu.memref_squeeze %dma_wait3A_25 : memref<1x128xi32, #tpu.memory_space<vmem>> -> memref<128xi32, #tpu.memory_space<vmem>>
      %dma_wait3A_27 = arith.constant 0 : i32
      %dma_wait3A_28 = arith.constant 0 : i32
      %dma_wait3A_29 = tpu.memref_slice %arg8[%dma_wait3A_27, %dma_wait3A_28] : memref<10240x16xf32, #tpu.memory_space<vmem_shared>> -> memref<10240x16xf32, #tpu.memory_space<vmem_shared>>
      tpu.wait_indirect_dma semaphore(%arg9 : memref<!tpu.dma_semaphore, #tpu.memory_space<semaphore_mem>>) src(%arg7 : memref<128x16xf32, #tpu.memory_space<vmem>>) dst(%dma_wait3A_29 : memref<10240x16xf32, #tpu.memory_space<vmem_shared>>)
    }
    %scan3A_13 = arith.constant 80 : i32
    %barrier3A_14 = arith.constant 0 : index
    tpu.barrier barrier_id(%barrier3A_14)
    %mul3A_15 = arith.constant 640 : i32
    %mul3A_16 = arith.muli %arg1, %mul3A_15 : i32
    %mul3A_17 = arith.constant 640 : i32
    %mul3A_18 = arith.muli %arg1, %mul3A_17 : i32
    "tpu.region"() ({
      %run_scoped3A_19 = tpu.sem_alloc : memref<!tpu.dma_semaphore, #tpu.memory_space<semaphore_mem>>
      %dma_start3A = arith.constant 0 : i32
      %dma_start3A_20 = tpu.memref_slice %arg5[%arg0, %mul3A_18, %dma_start3A] : memref<2x10240x16xf32, #tpu.memory_space<hbm>> -> memref<1x640x16xf32, #tpu.memory_space<hbm>>
      %dma_start3A_21 = tpu.memref_squeeze %dma_start3A_20 : memref<1x640x16xf32, #tpu.memory_space<hbm>> -> memref<640x16xf32, #tpu.memory_space<hbm>>
      %dma_start3A_22 = arith.constant 0 : i32
      %dma_start3A_23 = tpu.memref_slice %arg8[%mul3A_16, %dma_start3A_22] : memref<10240x16xf32, #tpu.memory_space<vmem_shared>> -> memref<640x16xf32, #tpu.memory_space<vmem_shared>>
      tpu.enqueue_dma source(%dma_start3A_23 : memref<640x16xf32, #tpu.memory_space<vmem_shared>>) target(%dma_start3A_21 : memref<640x16xf32, #tpu.memory_space<hbm>>) target_semaphore(%run_scoped3A_19 : memref<!tpu.dma_semaphore, #tpu.memory_space<semaphore_mem>>)
      %dma_wait3A = arith.constant 0 : i32
      %dma_wait3A_24 = tpu.memref_slice %arg5[%arg0, %mul3A_18, %dma_wait3A] : memref<2x10240x16xf32, #tpu.memory_space<hbm>> -> memref<1x640x16xf32, #tpu.memory_space<hbm>>
      %dma_wait3A_25 = tpu.memref_squeeze %dma_wait3A_24 : memref<1x640x16xf32, #tpu.memory_space<hbm>> -> memref<640x16xf32, #tpu.memory_space<hbm>>
      %dma_wait3A_26 = arith.constant 0 : i32
      %dma_wait3A_27 = tpu.memref_slice %arg8[%mul3A_16, %dma_wait3A_26] : memref<10240x16xf32, #tpu.memory_space<vmem_shared>> -> memref<640x16xf32, #tpu.memory_space<vmem_shared>>
      tpu.wait_dma2 semaphore(%run_scoped3A_19 : memref<!tpu.dma_semaphore, #tpu.memory_space<semaphore_mem>>) src(%dma_wait3A_27 : memref<640x16xf32, #tpu.memory_space<vmem_shared>>) dst(%dma_wait3A_25 : memref<640x16xf32, #tpu.memory_space<hbm>>)
      tpu.yield
    }) : () -> ()
    return
  }
}

#map = affine_map<(d0, d1) -> (0, 0)>
#map1 = affine_map<(d0, d1) -> (0, 0, 0, 0)>
#map2 = affine_map<(d0, d1) -> (0, 0, 0)>
module attributes {stable_mosaic.version = 14 : i64} {
  func.func @prop_kernel(%arg0: i32, %arg1: i32, %arg2: memref<10000x16xf32, #tpu.memory_space<hbm>>, %arg3: memref<2x32x80x128xi32, #tpu.memory_space<hbm>>, %arg4: memref<10240x16xf32, #tpu.memory_space<hbm>>, %arg5: memref<2x10240x16xf32, #tpu.memory_space<hbm>>, %arg6: memref<80x128xi32, #tpu.memory_space<vmem>>, %arg7: memref<80x128xi32, #tpu.memory_space<vmem>>, %arg8: memref<4x128x16xf32, #tpu.memory_space<vmem>>, %arg9: memref<10240x16xf32, #tpu.memory_space<vmem_shared>>, %arg10: memref<10000x16xf32, #tpu.memory_space<vmem_shared>>, %arg11: memref<!tpu.dma_semaphore, #tpu.memory_space<semaphore_mem>>, %arg12: memref<!tpu.dma_semaphore, #tpu.memory_space<semaphore_mem>>, %arg13: memref<!tpu.dma_semaphore, #tpu.memory_space<semaphore_mem>>, %arg14: memref<!tpu.dma_semaphore, #tpu.memory_space<semaphore_mem>>, %arg15: memref<!tpu.dma_semaphore, #tpu.memory_space<semaphore_mem>>, %arg16: memref<!tpu.dma_semaphore, #tpu.memory_space<semaphore_mem>>, %arg17: memref<!tpu.dma_semaphore, #tpu.memory_space<semaphore_mem>>, %arg18: memref<!tpu.dma_semaphore, #tpu.memory_space<semaphore_mem>>) attributes {dimension_semantics = [#tpu.dimension_semantics<core_parallel>, #tpu.dimension_semantics<subcore_parallel>], iteration_bounds = array<i64: 2, 16>, scalar_prefetch = 0 : i64, scratch_operands = 13 : i64, tpu.core_type = #tpu.core_type<sc_vector_subcore>, window_params = [{transform_indices = #map}, {transform_indices = #map1}, {transform_indices = #map}, {transform_indices = #map2}]} {
    %mul3A = arith.constant 2 : i32
    %mul3A_0 = arith.muli %arg1, %mul3A : i32
    %add3A = arith.addi %mul3A_0, %arg0 : i32
    %run_scoped3A = arith.constant 0 : i32
    "tpu.region"() ({
      %run_scoped3A_65 = tpu.sem_alloc : memref<!tpu.dma_semaphore, #tpu.memory_space<semaphore_mem>>
      %dma_start3A_66 = arith.constant 0 : i32
      %dma_start3A_67 = arith.constant 0 : i32
      %dma_start3A_68 = tpu.memref_slice %arg3[%run_scoped3A, %add3A, %dma_start3A_66, %dma_start3A_67] : memref<2x32x80x128xi32, #tpu.memory_space<hbm>> -> memref<1x1x80x128xi32, #tpu.memory_space<hbm>>
      %dma_start3A_69 = tpu.memref_squeeze %dma_start3A_68 : memref<1x1x80x128xi32, #tpu.memory_space<hbm>> -> memref<80x128xi32, #tpu.memory_space<hbm>>
      %dma_start3A_70 = arith.constant 0 : i32
      %dma_start3A_71 = arith.constant 0 : i32
      %dma_start3A_72 = tpu.memref_slice %arg3[%run_scoped3A, %add3A, %dma_start3A_70, %dma_start3A_71] : memref<2x32x80x128xi32, #tpu.memory_space<hbm>> -> memref<1x1x80x128xi32, #tpu.memory_space<hbm>>
      %dma_start3A_73 = tpu.memref_squeeze %dma_start3A_72 : memref<1x1x80x128xi32, #tpu.memory_space<hbm>> -> memref<80x128xi32, #tpu.memory_space<hbm>>
      tpu.enqueue_dma source(%dma_start3A_73 : memref<80x128xi32, #tpu.memory_space<hbm>>) target(%arg6 : memref<80x128xi32, #tpu.memory_space<vmem>>) target_semaphore(%run_scoped3A_65 : memref<!tpu.dma_semaphore, #tpu.memory_space<semaphore_mem>>)
      %dma_wait3A_74 = arith.constant 0 : i32
      %dma_wait3A_75 = arith.constant 0 : i32
      %dma_wait3A_76 = tpu.memref_slice %arg3[%run_scoped3A, %add3A, %dma_wait3A_74, %dma_wait3A_75] : memref<2x32x80x128xi32, #tpu.memory_space<hbm>> -> memref<1x1x80x128xi32, #tpu.memory_space<hbm>>
      %dma_wait3A_77 = tpu.memref_squeeze %dma_wait3A_76 : memref<1x1x80x128xi32, #tpu.memory_space<hbm>> -> memref<80x128xi32, #tpu.memory_space<hbm>>
      %dma_wait3A_78 = arith.constant 0 : i32
      %dma_wait3A_79 = arith.constant 0 : i32
      %dma_wait3A_80 = tpu.memref_slice %arg3[%run_scoped3A, %add3A, %dma_wait3A_78, %dma_wait3A_79] : memref<2x32x80x128xi32, #tpu.memory_space<hbm>> -> memref<1x1x80x128xi32, #tpu.memory_space<hbm>>
      %dma_wait3A_81 = tpu.memref_squeeze %dma_wait3A_80 : memref<1x1x80x128xi32, #tpu.memory_space<hbm>> -> memref<80x128xi32, #tpu.memory_space<hbm>>
      tpu.wait_dma2 semaphore(%run_scoped3A_65 : memref<!tpu.dma_semaphore, #tpu.memory_space<semaphore_mem>>) src(%dma_wait3A_81 : memref<80x128xi32, #tpu.memory_space<hbm>>) dst(%arg6 : memref<80x128xi32, #tpu.memory_space<vmem>>)
      tpu.yield
    }) : () -> ()
    %run_scoped3A_1 = arith.constant 1 : i32
    "tpu.region"() ({
      %run_scoped3A_65 = tpu.sem_alloc : memref<!tpu.dma_semaphore, #tpu.memory_space<semaphore_mem>>
      %dma_start3A_66 = arith.constant 0 : i32
      %dma_start3A_67 = arith.constant 0 : i32
      %dma_start3A_68 = tpu.memref_slice %arg3[%run_scoped3A_1, %add3A, %dma_start3A_66, %dma_start3A_67] : memref<2x32x80x128xi32, #tpu.memory_space<hbm>> -> memref<1x1x80x128xi32, #tpu.memory_space<hbm>>
      %dma_start3A_69 = tpu.memref_squeeze %dma_start3A_68 : memref<1x1x80x128xi32, #tpu.memory_space<hbm>> -> memref<80x128xi32, #tpu.memory_space<hbm>>
      %dma_start3A_70 = arith.constant 0 : i32
      %dma_start3A_71 = arith.constant 0 : i32
      %dma_start3A_72 = tpu.memref_slice %arg3[%run_scoped3A_1, %add3A, %dma_start3A_70, %dma_start3A_71] : memref<2x32x80x128xi32, #tpu.memory_space<hbm>> -> memref<1x1x80x128xi32, #tpu.memory_space<hbm>>
      %dma_start3A_73 = tpu.memref_squeeze %dma_start3A_72 : memref<1x1x80x128xi32, #tpu.memory_space<hbm>> -> memref<80x128xi32, #tpu.memory_space<hbm>>
      tpu.enqueue_dma source(%dma_start3A_73 : memref<80x128xi32, #tpu.memory_space<hbm>>) target(%arg7 : memref<80x128xi32, #tpu.memory_space<vmem>>) target_semaphore(%run_scoped3A_65 : memref<!tpu.dma_semaphore, #tpu.memory_space<semaphore_mem>>)
      %dma_wait3A_74 = arith.constant 0 : i32
      %dma_wait3A_75 = arith.constant 0 : i32
      %dma_wait3A_76 = tpu.memref_slice %arg3[%run_scoped3A_1, %add3A, %dma_wait3A_74, %dma_wait3A_75] : memref<2x32x80x128xi32, #tpu.memory_space<hbm>> -> memref<1x1x80x128xi32, #tpu.memory_space<hbm>>
      %dma_wait3A_77 = tpu.memref_squeeze %dma_wait3A_76 : memref<1x1x80x128xi32, #tpu.memory_space<hbm>> -> memref<80x128xi32, #tpu.memory_space<hbm>>
      %dma_wait3A_78 = arith.constant 0 : i32
      %dma_wait3A_79 = arith.constant 0 : i32
      %dma_wait3A_80 = tpu.memref_slice %arg3[%run_scoped3A_1, %add3A, %dma_wait3A_78, %dma_wait3A_79] : memref<2x32x80x128xi32, #tpu.memory_space<hbm>> -> memref<1x1x80x128xi32, #tpu.memory_space<hbm>>
      %dma_wait3A_81 = tpu.memref_squeeze %dma_wait3A_80 : memref<1x1x80x128xi32, #tpu.memory_space<hbm>> -> memref<80x128xi32, #tpu.memory_space<hbm>>
      tpu.wait_dma2 semaphore(%run_scoped3A_65 : memref<!tpu.dma_semaphore, #tpu.memory_space<semaphore_mem>>) src(%dma_wait3A_81 : memref<80x128xi32, #tpu.memory_space<hbm>>) dst(%arg7 : memref<80x128xi32, #tpu.memory_space<vmem>>)
      tpu.yield
    }) : () -> ()
    %mul3A_2 = arith.constant 640 : i32
    %mul3A_3 = arith.muli %arg1, %mul3A_2 : i32
    %mul3A_4 = arith.constant 640 : i32
    %mul3A_5 = arith.muli %arg1, %mul3A_4 : i32
    "tpu.region"() ({
      %run_scoped3A_65 = tpu.sem_alloc : memref<!tpu.dma_semaphore, #tpu.memory_space<semaphore_mem>>
      %dma_start3A_66 = arith.constant 0 : i32
      %dma_start3A_67 = tpu.memref_slice %arg9[%mul3A_5, %dma_start3A_66] : memref<10240x16xf32, #tpu.memory_space<vmem_shared>> -> memref<640x16xf32, #tpu.memory_space<vmem_shared>>
      %dma_start3A_68 = arith.constant 0 : i32
      %dma_start3A_69 = tpu.memref_slice %arg4[%mul3A_3, %dma_start3A_68] : memref<10240x16xf32, #tpu.memory_space<hbm>> -> memref<640x16xf32, #tpu.memory_space<hbm>>
      tpu.enqueue_dma source(%dma_start3A_69 : memref<640x16xf32, #tpu.memory_space<hbm>>) target(%dma_start3A_67 : memref<640x16xf32, #tpu.memory_space<vmem_shared>>) target_semaphore(%run_scoped3A_65 : memref<!tpu.dma_semaphore, #tpu.memory_space<semaphore_mem>>)
      %dma_wait3A_70 = arith.constant 0 : i32
      %dma_wait3A_71 = tpu.memref_slice %arg9[%mul3A_5, %dma_wait3A_70] : memref<10240x16xf32, #tpu.memory_space<vmem_shared>> -> memref<640x16xf32, #tpu.memory_space<vmem_shared>>
      %dma_wait3A_72 = arith.constant 0 : i32
      %dma_wait3A_73 = tpu.memref_slice %arg4[%mul3A_3, %dma_wait3A_72] : memref<10240x16xf32, #tpu.memory_space<hbm>> -> memref<640x16xf32, #tpu.memory_space<hbm>>
      tpu.wait_dma2 semaphore(%run_scoped3A_65 : memref<!tpu.dma_semaphore, #tpu.memory_space<semaphore_mem>>) src(%dma_wait3A_73 : memref<640x16xf32, #tpu.memory_space<hbm>>) dst(%dma_wait3A_71 : memref<640x16xf32, #tpu.memory_space<vmem_shared>>)
      tpu.yield
    }) : () -> ()
    %mul3A_6 = arith.constant 625 : i32
    %mul3A_7 = arith.muli %arg1, %mul3A_6 : i32
    %mul3A_8 = arith.constant 625 : i32
    %mul3A_9 = arith.muli %arg1, %mul3A_8 : i32
    "tpu.region"() ({
      %run_scoped3A_65 = tpu.sem_alloc : memref<!tpu.dma_semaphore, #tpu.memory_space<semaphore_mem>>
      %dma_start3A_66 = arith.constant 0 : i32
      %dma_start3A_67 = tpu.memref_slice %arg10[%mul3A_9, %dma_start3A_66] : memref<10000x16xf32, #tpu.memory_space<vmem_shared>> -> memref<625x16xf32, #tpu.memory_space<vmem_shared>>
      %dma_start3A_68 = arith.constant 0 : i32
      %dma_start3A_69 = tpu.memref_slice %arg2[%mul3A_7, %dma_start3A_68] : memref<10000x16xf32, #tpu.memory_space<hbm>> -> memref<625x16xf32, #tpu.memory_space<hbm>>
      tpu.enqueue_dma source(%dma_start3A_69 : memref<625x16xf32, #tpu.memory_space<hbm>>) target(%dma_start3A_67 : memref<625x16xf32, #tpu.memory_space<vmem_shared>>) target_semaphore(%run_scoped3A_65 : memref<!tpu.dma_semaphore, #tpu.memory_space<semaphore_mem>>)
      %dma_wait3A_70 = arith.constant 0 : i32
      %dma_wait3A_71 = tpu.memref_slice %arg10[%mul3A_9, %dma_wait3A_70] : memref<10000x16xf32, #tpu.memory_space<vmem_shared>> -> memref<625x16xf32, #tpu.memory_space<vmem_shared>>
      %dma_wait3A_72 = arith.constant 0 : i32
      %dma_wait3A_73 = tpu.memref_slice %arg2[%mul3A_7, %dma_wait3A_72] : memref<10000x16xf32, #tpu.memory_space<hbm>> -> memref<625x16xf32, #tpu.memory_space<hbm>>
      tpu.wait_dma2 semaphore(%run_scoped3A_65 : memref<!tpu.dma_semaphore, #tpu.memory_space<semaphore_mem>>) src(%dma_wait3A_73 : memref<625x16xf32, #tpu.memory_space<hbm>>) dst(%dma_wait3A_71 : memref<625x16xf32, #tpu.memory_space<vmem_shared>>)
      tpu.yield
    }) : () -> ()
    %barrier3A = arith.constant 0 : index
    tpu.barrier barrier_id(%barrier3A)
    %dma_start3A = arith.constant 0 : i32
    %dma_start3A_10 = arith.constant 0 : i32
    %dma_start3A_11 = arith.constant 0 : i32
    %dma_start3A_12 = arith.constant 0 : i32
    %dma_start3A_13 = tpu.memref_slice %arg8[%dma_start3A_10, %dma_start3A_11, %dma_start3A_12] : memref<4x128x16xf32, #tpu.memory_space<vmem>> -> memref<1x128x16xf32, #tpu.memory_space<vmem>>
    %dma_start3A_14 = tpu.memref_squeeze %dma_start3A_13 : memref<1x128x16xf32, #tpu.memory_space<vmem>> -> memref<128x16xf32, #tpu.memory_space<vmem>>
    %dma_start3A_15 = arith.constant 0 : i32
    %dma_start3A_16 = tpu.memref_slice %arg6[%dma_start3A, %dma_start3A_15] : memref<80x128xi32, #tpu.memory_space<vmem>> -> memref<1x128xi32, #tpu.memory_space<vmem>>
    %dma_start3A_17 = tpu.memref_squeeze %dma_start3A_16 : memref<1x128xi32, #tpu.memory_space<vmem>> -> memref<128xi32, #tpu.memory_space<vmem>>
    %dma_start3A_18 = arith.constant 0 : i32
    %dma_start3A_19 = arith.constant 0 : i32
    %dma_start3A_20 = tpu.memref_slice %arg10[%dma_start3A_18, %dma_start3A_19] : memref<10000x16xf32, #tpu.memory_space<vmem_shared>> -> memref<10000x16xf32, #tpu.memory_space<vmem_shared>>
    tpu.enqueue_indirect_dma source(%dma_start3A_20 : memref<10000x16xf32, #tpu.memory_space<vmem_shared>>) target(%dma_start3A_14 : memref<128x16xf32, #tpu.memory_space<vmem>>) offsets(%dma_start3A_17 : memref<128xi32, #tpu.memory_space<vmem>>) semaphore(%arg11 : memref<!tpu.dma_semaphore, #tpu.memory_space<semaphore_mem>>)
    %dma_start3A_21 = arith.constant 1 : i32
    %dma_start3A_22 = arith.constant 1 : i32
    %dma_start3A_23 = arith.constant 0 : i32
    %dma_start3A_24 = arith.constant 0 : i32
    %dma_start3A_25 = tpu.memref_slice %arg8[%dma_start3A_22, %dma_start3A_23, %dma_start3A_24] : memref<4x128x16xf32, #tpu.memory_space<vmem>> -> memref<1x128x16xf32, #tpu.memory_space<vmem>>
    %dma_start3A_26 = tpu.memref_squeeze %dma_start3A_25 : memref<1x128x16xf32, #tpu.memory_space<vmem>> -> memref<128x16xf32, #tpu.memory_space<vmem>>
    %dma_start3A_27 = arith.constant 0 : i32
    %dma_start3A_28 = tpu.memref_slice %arg6[%dma_start3A_21, %dma_start3A_27] : memref<80x128xi32, #tpu.memory_space<vmem>> -> memref<1x128xi32, #tpu.memory_space<vmem>>
    %dma_start3A_29 = tpu.memref_squeeze %dma_start3A_28 : memref<1x128xi32, #tpu.memory_space<vmem>> -> memref<128xi32, #tpu.memory_space<vmem>>
    %dma_start3A_30 = arith.constant 0 : i32
    %dma_start3A_31 = arith.constant 0 : i32
    %dma_start3A_32 = tpu.memref_slice %arg10[%dma_start3A_30, %dma_start3A_31] : memref<10000x16xf32, #tpu.memory_space<vmem_shared>> -> memref<10000x16xf32, #tpu.memory_space<vmem_shared>>
    tpu.enqueue_indirect_dma source(%dma_start3A_32 : memref<10000x16xf32, #tpu.memory_space<vmem_shared>>) target(%dma_start3A_26 : memref<128x16xf32, #tpu.memory_space<vmem>>) offsets(%dma_start3A_29 : memref<128xi32, #tpu.memory_space<vmem>>) semaphore(%arg12 : memref<!tpu.dma_semaphore, #tpu.memory_space<semaphore_mem>>)
    %dma_start3A_33 = arith.constant 2 : i32
    %dma_start3A_34 = arith.constant 2 : i32
    %dma_start3A_35 = arith.constant 0 : i32
    %dma_start3A_36 = arith.constant 0 : i32
    %dma_start3A_37 = tpu.memref_slice %arg8[%dma_start3A_34, %dma_start3A_35, %dma_start3A_36] : memref<4x128x16xf32, #tpu.memory_space<vmem>> -> memref<1x128x16xf32, #tpu.memory_space<vmem>>
    %dma_start3A_38 = tpu.memref_squeeze %dma_start3A_37 : memref<1x128x16xf32, #tpu.memory_space<vmem>> -> memref<128x16xf32, #tpu.memory_space<vmem>>
    %dma_start3A_39 = arith.constant 0 : i32
    %dma_start3A_40 = tpu.memref_slice %arg6[%dma_start3A_33, %dma_start3A_39] : memref<80x128xi32, #tpu.memory_space<vmem>> -> memref<1x128xi32, #tpu.memory_space<vmem>>
    %dma_start3A_41 = tpu.memref_squeeze %dma_start3A_40 : memref<1x128xi32, #tpu.memory_space<vmem>> -> memref<128xi32, #tpu.memory_space<vmem>>
    %dma_start3A_42 = arith.constant 0 : i32
    %dma_start3A_43 = arith.constant 0 : i32
    %dma_start3A_44 = tpu.memref_slice %arg10[%dma_start3A_42, %dma_start3A_43] : memref<10000x16xf32, #tpu.memory_space<vmem_shared>> -> memref<10000x16xf32, #tpu.memory_space<vmem_shared>>
    tpu.enqueue_indirect_dma source(%dma_start3A_44 : memref<10000x16xf32, #tpu.memory_space<vmem_shared>>) target(%dma_start3A_38 : memref<128x16xf32, #tpu.memory_space<vmem>>) offsets(%dma_start3A_41 : memref<128xi32, #tpu.memory_space<vmem>>) semaphore(%arg13 : memref<!tpu.dma_semaphore, #tpu.memory_space<semaphore_mem>>)
    %scan3A = arith.constant 0 : i32
    %scan3A_45 = arith.constant 20 : i32
    %scan3A_46 = arith.addi %scan3A, %scan3A_45 : i32
    %scan3A_47 = arith.constant 1 : i32
    scf.for %scan3A_65 = %scan3A to %scan3A_46 step %scan3A_47  : i32 {
      %mul3A_66 = arith.constant 4 : i32
      %mul3A_67 = arith.muli %scan3A_65, %mul3A_66 : i32
      %add3A_68 = arith.constant 0 : i32
      %add3A_69 = arith.addi %add3A_68, %mul3A_67 : i32
      %add3A_70 = arith.constant 0 : i32
      %add3A_71 = arith.addi %add3A_69, %add3A_70 : i32
      %gt3A = arith.constant 0 : i32
      %gt3A_72 = arith.cmpi sgt, %add3A_71, %gt3A : i32
      %convert_element_type3A = arith.extui %gt3A_72 : i1 to i32
      %cond3A = arith.constant 0 : i32
      %cond3A_73 = arith.cmpi ne, %convert_element_type3A, %cond3A : i32
      scf.if %cond3A_73 {
        %dma_wait3A_210 = arith.constant 3 : i32
        %dma_wait3A_211 = arith.constant 0 : i32
        %dma_wait3A_212 = arith.constant 0 : i32
        %dma_wait3A_213 = arith.constant 0 : i32
        %dma_wait3A_214 = tpu.memref_slice %arg8[%dma_wait3A_210, %dma_wait3A_212, %dma_wait3A_213] : memref<4x128x16xf32, #tpu.memory_space<vmem>> -> memref<1x128x16xf32, #tpu.memory_space<vmem>>
        %dma_wait3A_215 = tpu.memref_squeeze %dma_wait3A_214 : memref<1x128x16xf32, #tpu.memory_space<vmem>> -> memref<128x16xf32, #tpu.memory_space<vmem>>
        %dma_wait3A_216 = arith.constant 0 : i32
        %dma_wait3A_217 = tpu.memref_slice %arg7[%dma_wait3A_211, %dma_wait3A_216] : memref<80x128xi32, #tpu.memory_space<vmem>> -> memref<1x128xi32, #tpu.memory_space<vmem>>
        %dma_wait3A_218 = tpu.memref_squeeze %dma_wait3A_217 : memref<1x128xi32, #tpu.memory_space<vmem>> -> memref<128xi32, #tpu.memory_space<vmem>>
        %dma_wait3A_219 = arith.constant 0 : i32
        %dma_wait3A_220 = arith.constant 0 : i32
        %dma_wait3A_221 = tpu.memref_slice %arg9[%dma_wait3A_219, %dma_wait3A_220] : memref<10240x16xf32, #tpu.memory_space<vmem_shared>> -> memref<10240x16xf32, #tpu.memory_space<vmem_shared>>
        tpu.wait_indirect_dma semaphore(%arg18 : memref<!tpu.dma_semaphore, #tpu.memory_space<semaphore_mem>>) src(%dma_wait3A_215 : memref<128x16xf32, #tpu.memory_space<vmem>>) dst(%dma_wait3A_221 : memref<10240x16xf32, #tpu.memory_space<vmem_shared>>)
      } else {
      }
      %add3A_74 = arith.constant 3 : i32
      %add3A_75 = arith.addi %add3A_71, %add3A_74 : i32
      %lt3A = arith.constant 80 : i32
      %lt3A_76 = arith.cmpi slt, %add3A_75, %lt3A : i32
      %convert_element_type3A_77 = arith.extui %lt3A_76 : i1 to i32
      %cond3A_78 = arith.constant 0 : i32
      %cond3A_79 = arith.cmpi ne, %convert_element_type3A_77, %cond3A_78 : i32
      scf.if %cond3A_79 {
        %add3A_210 = arith.constant 3 : i32
        %add3A_211 = arith.addi %add3A_71, %add3A_210 : i32
        %dma_start3A_212 = arith.constant 3 : i32
        %dma_start3A_213 = arith.constant 0 : i32
        %dma_start3A_214 = arith.constant 0 : i32
        %dma_start3A_215 = tpu.memref_slice %arg8[%dma_start3A_212, %dma_start3A_213, %dma_start3A_214] : memref<4x128x16xf32, #tpu.memory_space<vmem>> -> memref<1x128x16xf32, #tpu.memory_space<vmem>>
        %dma_start3A_216 = tpu.memref_squeeze %dma_start3A_215 : memref<1x128x16xf32, #tpu.memory_space<vmem>> -> memref<128x16xf32, #tpu.memory_space<vmem>>
        %dma_start3A_217 = arith.constant 0 : i32
        %dma_start3A_218 = tpu.memref_slice %arg6[%add3A_211, %dma_start3A_217] : memref<80x128xi32, #tpu.memory_space<vmem>> -> memref<1x128xi32, #tpu.memory_space<vmem>>
        %dma_start3A_219 = tpu.memref_squeeze %dma_start3A_218 : memref<1x128xi32, #tpu.memory_space<vmem>> -> memref<128xi32, #tpu.memory_space<vmem>>
        %dma_start3A_220 = arith.constant 0 : i32
        %dma_start3A_221 = arith.constant 0 : i32
        %dma_start3A_222 = tpu.memref_slice %arg10[%dma_start3A_220, %dma_start3A_221] : memref<10000x16xf32, #tpu.memory_space<vmem_shared>> -> memref<10000x16xf32, #tpu.memory_space<vmem_shared>>
        tpu.enqueue_indirect_dma source(%dma_start3A_222 : memref<10000x16xf32, #tpu.memory_space<vmem_shared>>) target(%dma_start3A_216 : memref<128x16xf32, #tpu.memory_space<vmem>>) offsets(%dma_start3A_219 : memref<128xi32, #tpu.memory_space<vmem>>) semaphore(%arg14 : memref<!tpu.dma_semaphore, #tpu.memory_space<semaphore_mem>>)
      } else {
      }
      %dma_wait3A_80 = arith.constant 0 : i32
      %dma_wait3A_81 = arith.constant 0 : i32
      %dma_wait3A_82 = arith.constant 0 : i32
      %dma_wait3A_83 = tpu.memref_slice %arg8[%dma_wait3A_80, %dma_wait3A_81, %dma_wait3A_82] : memref<4x128x16xf32, #tpu.memory_space<vmem>> -> memref<1x128x16xf32, #tpu.memory_space<vmem>>
      %dma_wait3A_84 = tpu.memref_squeeze %dma_wait3A_83 : memref<1x128x16xf32, #tpu.memory_space<vmem>> -> memref<128x16xf32, #tpu.memory_space<vmem>>
      %dma_wait3A_85 = arith.constant 0 : i32
      %dma_wait3A_86 = tpu.memref_slice %arg6[%add3A_71, %dma_wait3A_85] : memref<80x128xi32, #tpu.memory_space<vmem>> -> memref<1x128xi32, #tpu.memory_space<vmem>>
      %dma_wait3A_87 = tpu.memref_squeeze %dma_wait3A_86 : memref<1x128xi32, #tpu.memory_space<vmem>> -> memref<128xi32, #tpu.memory_space<vmem>>
      %dma_wait3A_88 = arith.constant 0 : i32
      %dma_wait3A_89 = arith.constant 0 : i32
      %dma_wait3A_90 = tpu.memref_slice %arg10[%dma_wait3A_88, %dma_wait3A_89] : memref<10000x16xf32, #tpu.memory_space<vmem_shared>> -> memref<10000x16xf32, #tpu.memory_space<vmem_shared>>
      tpu.wait_indirect_dma semaphore(%arg11 : memref<!tpu.dma_semaphore, #tpu.memory_space<semaphore_mem>>) src(%dma_wait3A_90 : memref<10000x16xf32, #tpu.memory_space<vmem_shared>>) dst(%dma_wait3A_84 : memref<128x16xf32, #tpu.memory_space<vmem>>)
      %dma_start3A_91 = arith.constant 0 : i32
      %dma_start3A_92 = arith.constant 0 : i32
      %dma_start3A_93 = arith.constant 0 : i32
      %dma_start3A_94 = tpu.memref_slice %arg8[%dma_start3A_91, %dma_start3A_92, %dma_start3A_93] : memref<4x128x16xf32, #tpu.memory_space<vmem>> -> memref<1x128x16xf32, #tpu.memory_space<vmem>>
      %dma_start3A_95 = tpu.memref_squeeze %dma_start3A_94 : memref<1x128x16xf32, #tpu.memory_space<vmem>> -> memref<128x16xf32, #tpu.memory_space<vmem>>
      %dma_start3A_96 = arith.constant 0 : i32
      %dma_start3A_97 = tpu.memref_slice %arg7[%add3A_71, %dma_start3A_96] : memref<80x128xi32, #tpu.memory_space<vmem>> -> memref<1x128xi32, #tpu.memory_space<vmem>>
      %dma_start3A_98 = tpu.memref_squeeze %dma_start3A_97 : memref<1x128xi32, #tpu.memory_space<vmem>> -> memref<128xi32, #tpu.memory_space<vmem>>
      %dma_start3A_99 = arith.constant 0 : i32
      %dma_start3A_100 = arith.constant 0 : i32
      %dma_start3A_101 = tpu.memref_slice %arg9[%dma_start3A_99, %dma_start3A_100] : memref<10240x16xf32, #tpu.memory_space<vmem_shared>> -> memref<10240x16xf32, #tpu.memory_space<vmem_shared>>
      tpu.enqueue_indirect_dma source(%dma_start3A_95 : memref<128x16xf32, #tpu.memory_space<vmem>>) target(%dma_start3A_101 : memref<10240x16xf32, #tpu.memory_space<vmem_shared>>) offsets(%dma_start3A_98 : memref<128xi32, #tpu.memory_space<vmem>>) semaphore(%arg15 : memref<!tpu.dma_semaphore, #tpu.memory_space<semaphore_mem>>) {add = true}
      %add3A_102 = arith.constant 1 : i32
      %add3A_103 = arith.addi %add3A_69, %add3A_102 : i32
      %gt3A_104 = arith.constant 0 : i32
      %gt3A_105 = arith.cmpi sgt, %add3A_103, %gt3A_104 : i32
      %convert_element_type3A_106 = arith.extui %gt3A_105 : i1 to i32
      %cond3A_107 = arith.constant 0 : i32
      %cond3A_108 = arith.cmpi ne, %convert_element_type3A_106, %cond3A_107 : i32
      scf.if %cond3A_108 {
        %dma_wait3A_210 = arith.constant 0 : i32
        %dma_wait3A_211 = arith.constant 0 : i32
        %dma_wait3A_212 = arith.constant 0 : i32
        %dma_wait3A_213 = arith.constant 0 : i32
        %dma_wait3A_214 = tpu.memref_slice %arg8[%dma_wait3A_210, %dma_wait3A_212, %dma_wait3A_213] : memref<4x128x16xf32, #tpu.memory_space<vmem>> -> memref<1x128x16xf32, #tpu.memory_space<vmem>>
        %dma_wait3A_215 = tpu.memref_squeeze %dma_wait3A_214 : memref<1x128x16xf32, #tpu.memory_space<vmem>> -> memref<128x16xf32, #tpu.memory_space<vmem>>
        %dma_wait3A_216 = arith.constant 0 : i32
        %dma_wait3A_217 = tpu.memref_slice %arg7[%dma_wait3A_211, %dma_wait3A_216] : memref<80x128xi32, #tpu.memory_space<vmem>> -> memref<1x128xi32, #tpu.memory_space<vmem>>
        %dma_wait3A_218 = tpu.memref_squeeze %dma_wait3A_217 : memref<1x128xi32, #tpu.memory_space<vmem>> -> memref<128xi32, #tpu.memory_space<vmem>>
        %dma_wait3A_219 = arith.constant 0 : i32
        %dma_wait3A_220 = arith.constant 0 : i32
        %dma_wait3A_221 = tpu.memref_slice %arg9[%dma_wait3A_219, %dma_wait3A_220] : memref<10240x16xf32, #tpu.memory_space<vmem_shared>> -> memref<10240x16xf32, #tpu.memory_space<vmem_shared>>
        tpu.wait_indirect_dma semaphore(%arg15 : memref<!tpu.dma_semaphore, #tpu.memory_space<semaphore_mem>>) src(%dma_wait3A_215 : memref<128x16xf32, #tpu.memory_space<vmem>>) dst(%dma_wait3A_221 : memref<10240x16xf32, #tpu.memory_space<vmem_shared>>)
      } else {
      }
      %add3A_109 = arith.constant 3 : i32
      %add3A_110 = arith.addi %add3A_103, %add3A_109 : i32
      %lt3A_111 = arith.constant 80 : i32
      %lt3A_112 = arith.cmpi slt, %add3A_110, %lt3A_111 : i32
      %convert_element_type3A_113 = arith.extui %lt3A_112 : i1 to i32
      %cond3A_114 = arith.constant 0 : i32
      %cond3A_115 = arith.cmpi ne, %convert_element_type3A_113, %cond3A_114 : i32
      scf.if %cond3A_115 {
        %add3A_210 = arith.constant 3 : i32
        %add3A_211 = arith.addi %add3A_103, %add3A_210 : i32
        %dma_start3A_212 = arith.constant 0 : i32
        %dma_start3A_213 = arith.constant 0 : i32
        %dma_start3A_214 = arith.constant 0 : i32
        %dma_start3A_215 = tpu.memref_slice %arg8[%dma_start3A_212, %dma_start3A_213, %dma_start3A_214] : memref<4x128x16xf32, #tpu.memory_space<vmem>> -> memref<1x128x16xf32, #tpu.memory_space<vmem>>
        %dma_start3A_216 = tpu.memref_squeeze %dma_start3A_215 : memref<1x128x16xf32, #tpu.memory_space<vmem>> -> memref<128x16xf32, #tpu.memory_space<vmem>>
        %dma_start3A_217 = arith.constant 0 : i32
        %dma_start3A_218 = tpu.memref_slice %arg6[%add3A_211, %dma_start3A_217] : memref<80x128xi32, #tpu.memory_space<vmem>> -> memref<1x128xi32, #tpu.memory_space<vmem>>
        %dma_start3A_219 = tpu.memref_squeeze %dma_start3A_218 : memref<1x128xi32, #tpu.memory_space<vmem>> -> memref<128xi32, #tpu.memory_space<vmem>>
        %dma_start3A_220 = arith.constant 0 : i32
        %dma_start3A_221 = arith.constant 0 : i32
        %dma_start3A_222 = tpu.memref_slice %arg10[%dma_start3A_220, %dma_start3A_221] : memref<10000x16xf32, #tpu.memory_space<vmem_shared>> -> memref<10000x16xf32, #tpu.memory_space<vmem_shared>>
        tpu.enqueue_indirect_dma source(%dma_start3A_222 : memref<10000x16xf32, #tpu.memory_space<vmem_shared>>) target(%dma_start3A_216 : memref<128x16xf32, #tpu.memory_space<vmem>>) offsets(%dma_start3A_219 : memref<128xi32, #tpu.memory_space<vmem>>) semaphore(%arg11 : memref<!tpu.dma_semaphore, #tpu.memory_space<semaphore_mem>>)
      } else {
      }
      %dma_wait3A_116 = arith.constant 1 : i32
      %dma_wait3A_117 = arith.constant 0 : i32
      %dma_wait3A_118 = arith.constant 0 : i32
      %dma_wait3A_119 = tpu.memref_slice %arg8[%dma_wait3A_116, %dma_wait3A_117, %dma_wait3A_118] : memref<4x128x16xf32, #tpu.memory_space<vmem>> -> memref<1x128x16xf32, #tpu.memory_space<vmem>>
      %dma_wait3A_120 = tpu.memref_squeeze %dma_wait3A_119 : memref<1x128x16xf32, #tpu.memory_space<vmem>> -> memref<128x16xf32, #tpu.memory_space<vmem>>
      %dma_wait3A_121 = arith.constant 0 : i32
      %dma_wait3A_122 = tpu.memref_slice %arg6[%add3A_103, %dma_wait3A_121] : memref<80x128xi32, #tpu.memory_space<vmem>> -> memref<1x128xi32, #tpu.memory_space<vmem>>
      %dma_wait3A_123 = tpu.memref_squeeze %dma_wait3A_122 : memref<1x128xi32, #tpu.memory_space<vmem>> -> memref<128xi32, #tpu.memory_space<vmem>>
      %dma_wait3A_124 = arith.constant 0 : i32
      %dma_wait3A_125 = arith.constant 0 : i32
      %dma_wait3A_126 = tpu.memref_slice %arg10[%dma_wait3A_124, %dma_wait3A_125] : memref<10000x16xf32, #tpu.memory_space<vmem_shared>> -> memref<10000x16xf32, #tpu.memory_space<vmem_shared>>
      tpu.wait_indirect_dma semaphore(%arg12 : memref<!tpu.dma_semaphore, #tpu.memory_space<semaphore_mem>>) src(%dma_wait3A_126 : memref<10000x16xf32, #tpu.memory_space<vmem_shared>>) dst(%dma_wait3A_120 : memref<128x16xf32, #tpu.memory_space<vmem>>)
      %dma_start3A_127 = arith.constant 1 : i32
      %dma_start3A_128 = arith.constant 0 : i32
      %dma_start3A_129 = arith.constant 0 : i32
      %dma_start3A_130 = tpu.memref_slice %arg8[%dma_start3A_127, %dma_start3A_128, %dma_start3A_129] : memref<4x128x16xf32, #tpu.memory_space<vmem>> -> memref<1x128x16xf32, #tpu.memory_space<vmem>>
      %dma_start3A_131 = tpu.memref_squeeze %dma_start3A_130 : memref<1x128x16xf32, #tpu.memory_space<vmem>> -> memref<128x16xf32, #tpu.memory_space<vmem>>
      %dma_start3A_132 = arith.constant 0 : i32
      %dma_start3A_133 = tpu.memref_slice %arg7[%add3A_103, %dma_start3A_132] : memref<80x128xi32, #tpu.memory_space<vmem>> -> memref<1x128xi32, #tpu.memory_space<vmem>>
      %dma_start3A_134 = tpu.memref_squeeze %dma_start3A_133 : memref<1x128xi32, #tpu.memory_space<vmem>> -> memref<128xi32, #tpu.memory_space<vmem>>
      %dma_start3A_135 = arith.constant 0 : i32
      %dma_start3A_136 = arith.constant 0 : i32
      %dma_start3A_137 = tpu.memref_slice %arg9[%dma_start3A_135, %dma_start3A_136] : memref<10240x16xf32, #tpu.memory_space<vmem_shared>> -> memref<10240x16xf32, #tpu.memory_space<vmem_shared>>
      tpu.enqueue_indirect_dma source(%dma_start3A_131 : memref<128x16xf32, #tpu.memory_space<vmem>>) target(%dma_start3A_137 : memref<10240x16xf32, #tpu.memory_space<vmem_shared>>) offsets(%dma_start3A_134 : memref<128xi32, #tpu.memory_space<vmem>>) semaphore(%arg16 : memref<!tpu.dma_semaphore, #tpu.memory_space<semaphore_mem>>) {add = true}
      %add3A_138 = arith.constant 2 : i32
      %add3A_139 = arith.addi %add3A_69, %add3A_138 : i32
      %gt3A_140 = arith.constant 0 : i32
      %gt3A_141 = arith.cmpi sgt, %add3A_139, %gt3A_140 : i32
      %convert_element_type3A_142 = arith.extui %gt3A_141 : i1 to i32
      %cond3A_143 = arith.constant 0 : i32
      %cond3A_144 = arith.cmpi ne, %convert_element_type3A_142, %cond3A_143 : i32
      scf.if %cond3A_144 {
        %dma_wait3A_210 = arith.constant 1 : i32
        %dma_wait3A_211 = arith.constant 0 : i32
        %dma_wait3A_212 = arith.constant 0 : i32
        %dma_wait3A_213 = arith.constant 0 : i32
        %dma_wait3A_214 = tpu.memref_slice %arg8[%dma_wait3A_210, %dma_wait3A_212, %dma_wait3A_213] : memref<4x128x16xf32, #tpu.memory_space<vmem>> -> memref<1x128x16xf32, #tpu.memory_space<vmem>>
        %dma_wait3A_215 = tpu.memref_squeeze %dma_wait3A_214 : memref<1x128x16xf32, #tpu.memory_space<vmem>> -> memref<128x16xf32, #tpu.memory_space<vmem>>
        %dma_wait3A_216 = arith.constant 0 : i32
        %dma_wait3A_217 = tpu.memref_slice %arg7[%dma_wait3A_211, %dma_wait3A_216] : memref<80x128xi32, #tpu.memory_space<vmem>> -> memref<1x128xi32, #tpu.memory_space<vmem>>
        %dma_wait3A_218 = tpu.memref_squeeze %dma_wait3A_217 : memref<1x128xi32, #tpu.memory_space<vmem>> -> memref<128xi32, #tpu.memory_space<vmem>>
        %dma_wait3A_219 = arith.constant 0 : i32
        %dma_wait3A_220 = arith.constant 0 : i32
        %dma_wait3A_221 = tpu.memref_slice %arg9[%dma_wait3A_219, %dma_wait3A_220] : memref<10240x16xf32, #tpu.memory_space<vmem_shared>> -> memref<10240x16xf32, #tpu.memory_space<vmem_shared>>
        tpu.wait_indirect_dma semaphore(%arg16 : memref<!tpu.dma_semaphore, #tpu.memory_space<semaphore_mem>>) src(%dma_wait3A_215 : memref<128x16xf32, #tpu.memory_space<vmem>>) dst(%dma_wait3A_221 : memref<10240x16xf32, #tpu.memory_space<vmem_shared>>)
      } else {
      }
      %add3A_145 = arith.constant 3 : i32
      %add3A_146 = arith.addi %add3A_139, %add3A_145 : i32
      %lt3A_147 = arith.constant 80 : i32
      %lt3A_148 = arith.cmpi slt, %add3A_146, %lt3A_147 : i32
      %convert_element_type3A_149 = arith.extui %lt3A_148 : i1 to i32
      %cond3A_150 = arith.constant 0 : i32
      %cond3A_151 = arith.cmpi ne, %convert_element_type3A_149, %cond3A_150 : i32
      scf.if %cond3A_151 {
        %add3A_210 = arith.constant 3 : i32
        %add3A_211 = arith.addi %add3A_139, %add3A_210 : i32
        %dma_start3A_212 = arith.constant 1 : i32
        %dma_start3A_213 = arith.constant 0 : i32
        %dma_start3A_214 = arith.constant 0 : i32
        %dma_start3A_215 = tpu.memref_slice %arg8[%dma_start3A_212, %dma_start3A_213, %dma_start3A_214] : memref<4x128x16xf32, #tpu.memory_space<vmem>> -> memref<1x128x16xf32, #tpu.memory_space<vmem>>
        %dma_start3A_216 = tpu.memref_squeeze %dma_start3A_215 : memref<1x128x16xf32, #tpu.memory_space<vmem>> -> memref<128x16xf32, #tpu.memory_space<vmem>>
        %dma_start3A_217 = arith.constant 0 : i32
        %dma_start3A_218 = tpu.memref_slice %arg6[%add3A_211, %dma_start3A_217] : memref<80x128xi32, #tpu.memory_space<vmem>> -> memref<1x128xi32, #tpu.memory_space<vmem>>
        %dma_start3A_219 = tpu.memref_squeeze %dma_start3A_218 : memref<1x128xi32, #tpu.memory_space<vmem>> -> memref<128xi32, #tpu.memory_space<vmem>>
        %dma_start3A_220 = arith.constant 0 : i32
        %dma_start3A_221 = arith.constant 0 : i32
        %dma_start3A_222 = tpu.memref_slice %arg10[%dma_start3A_220, %dma_start3A_221] : memref<10000x16xf32, #tpu.memory_space<vmem_shared>> -> memref<10000x16xf32, #tpu.memory_space<vmem_shared>>
        tpu.enqueue_indirect_dma source(%dma_start3A_222 : memref<10000x16xf32, #tpu.memory_space<vmem_shared>>) target(%dma_start3A_216 : memref<128x16xf32, #tpu.memory_space<vmem>>) offsets(%dma_start3A_219 : memref<128xi32, #tpu.memory_space<vmem>>) semaphore(%arg12 : memref<!tpu.dma_semaphore, #tpu.memory_space<semaphore_mem>>)
      } else {
      }
      %dma_wait3A_152 = arith.constant 2 : i32
      %dma_wait3A_153 = arith.constant 0 : i32
      %dma_wait3A_154 = arith.constant 0 : i32
      %dma_wait3A_155 = tpu.memref_slice %arg8[%dma_wait3A_152, %dma_wait3A_153, %dma_wait3A_154] : memref<4x128x16xf32, #tpu.memory_space<vmem>> -> memref<1x128x16xf32, #tpu.memory_space<vmem>>
      %dma_wait3A_156 = tpu.memref_squeeze %dma_wait3A_155 : memref<1x128x16xf32, #tpu.memory_space<vmem>> -> memref<128x16xf32, #tpu.memory_space<vmem>>
      %dma_wait3A_157 = arith.constant 0 : i32
      %dma_wait3A_158 = tpu.memref_slice %arg6[%add3A_139, %dma_wait3A_157] : memref<80x128xi32, #tpu.memory_space<vmem>> -> memref<1x128xi32, #tpu.memory_space<vmem>>
      %dma_wait3A_159 = tpu.memref_squeeze %dma_wait3A_158 : memref<1x128xi32, #tpu.memory_space<vmem>> -> memref<128xi32, #tpu.memory_space<vmem>>
      %dma_wait3A_160 = arith.constant 0 : i32
      %dma_wait3A_161 = arith.constant 0 : i32
      %dma_wait3A_162 = tpu.memref_slice %arg10[%dma_wait3A_160, %dma_wait3A_161] : memref<10000x16xf32, #tpu.memory_space<vmem_shared>> -> memref<10000x16xf32, #tpu.memory_space<vmem_shared>>
      tpu.wait_indirect_dma semaphore(%arg13 : memref<!tpu.dma_semaphore, #tpu.memory_space<semaphore_mem>>) src(%dma_wait3A_162 : memref<10000x16xf32, #tpu.memory_space<vmem_shared>>) dst(%dma_wait3A_156 : memref<128x16xf32, #tpu.memory_space<vmem>>)
      %dma_start3A_163 = arith.constant 2 : i32
      %dma_start3A_164 = arith.constant 0 : i32
      %dma_start3A_165 = arith.constant 0 : i32
      %dma_start3A_166 = tpu.memref_slice %arg8[%dma_start3A_163, %dma_start3A_164, %dma_start3A_165] : memref<4x128x16xf32, #tpu.memory_space<vmem>> -> memref<1x128x16xf32, #tpu.memory_space<vmem>>
      %dma_start3A_167 = tpu.memref_squeeze %dma_start3A_166 : memref<1x128x16xf32, #tpu.memory_space<vmem>> -> memref<128x16xf32, #tpu.memory_space<vmem>>
      %dma_start3A_168 = arith.constant 0 : i32
      %dma_start3A_169 = tpu.memref_slice %arg7[%add3A_139, %dma_start3A_168] : memref<80x128xi32, #tpu.memory_space<vmem>> -> memref<1x128xi32, #tpu.memory_space<vmem>>
      %dma_start3A_170 = tpu.memref_squeeze %dma_start3A_169 : memref<1x128xi32, #tpu.memory_space<vmem>> -> memref<128xi32, #tpu.memory_space<vmem>>
      %dma_start3A_171 = arith.constant 0 : i32
      %dma_start3A_172 = arith.constant 0 : i32
      %dma_start3A_173 = tpu.memref_slice %arg9[%dma_start3A_171, %dma_start3A_172] : memref<10240x16xf32, #tpu.memory_space<vmem_shared>> -> memref<10240x16xf32, #tpu.memory_space<vmem_shared>>
      tpu.enqueue_indirect_dma source(%dma_start3A_167 : memref<128x16xf32, #tpu.memory_space<vmem>>) target(%dma_start3A_173 : memref<10240x16xf32, #tpu.memory_space<vmem_shared>>) offsets(%dma_start3A_170 : memref<128xi32, #tpu.memory_space<vmem>>) semaphore(%arg17 : memref<!tpu.dma_semaphore, #tpu.memory_space<semaphore_mem>>) {add = true}
      %add3A_174 = arith.constant 3 : i32
      %add3A_175 = arith.addi %add3A_69, %add3A_174 : i32
      %gt3A_176 = arith.constant 0 : i32
      %gt3A_177 = arith.cmpi sgt, %add3A_175, %gt3A_176 : i32
      %convert_element_type3A_178 = arith.extui %gt3A_177 : i1 to i32
      %cond3A_179 = arith.constant 0 : i32
      %cond3A_180 = arith.cmpi ne, %convert_element_type3A_178, %cond3A_179 : i32
      scf.if %cond3A_180 {
        %dma_wait3A_210 = arith.constant 2 : i32
        %dma_wait3A_211 = arith.constant 0 : i32
        %dma_wait3A_212 = arith.constant 0 : i32
        %dma_wait3A_213 = arith.constant 0 : i32
        %dma_wait3A_214 = tpu.memref_slice %arg8[%dma_wait3A_210, %dma_wait3A_212, %dma_wait3A_213] : memref<4x128x16xf32, #tpu.memory_space<vmem>> -> memref<1x128x16xf32, #tpu.memory_space<vmem>>
        %dma_wait3A_215 = tpu.memref_squeeze %dma_wait3A_214 : memref<1x128x16xf32, #tpu.memory_space<vmem>> -> memref<128x16xf32, #tpu.memory_space<vmem>>
        %dma_wait3A_216 = arith.constant 0 : i32
        %dma_wait3A_217 = tpu.memref_slice %arg7[%dma_wait3A_211, %dma_wait3A_216] : memref<80x128xi32, #tpu.memory_space<vmem>> -> memref<1x128xi32, #tpu.memory_space<vmem>>
        %dma_wait3A_218 = tpu.memref_squeeze %dma_wait3A_217 : memref<1x128xi32, #tpu.memory_space<vmem>> -> memref<128xi32, #tpu.memory_space<vmem>>
        %dma_wait3A_219 = arith.constant 0 : i32
        %dma_wait3A_220 = arith.constant 0 : i32
        %dma_wait3A_221 = tpu.memref_slice %arg9[%dma_wait3A_219, %dma_wait3A_220] : memref<10240x16xf32, #tpu.memory_space<vmem_shared>> -> memref<10240x16xf32, #tpu.memory_space<vmem_shared>>
        tpu.wait_indirect_dma semaphore(%arg17 : memref<!tpu.dma_semaphore, #tpu.memory_space<semaphore_mem>>) src(%dma_wait3A_215 : memref<128x16xf32, #tpu.memory_space<vmem>>) dst(%dma_wait3A_221 : memref<10240x16xf32, #tpu.memory_space<vmem_shared>>)
      } else {
      }
      %add3A_181 = arith.constant 3 : i32
      %add3A_182 = arith.addi %add3A_175, %add3A_181 : i32
      %lt3A_183 = arith.constant 80 : i32
      %lt3A_184 = arith.cmpi slt, %add3A_182, %lt3A_183 : i32
      %convert_element_type3A_185 = arith.extui %lt3A_184 : i1 to i32
      %cond3A_186 = arith.constant 0 : i32
      %cond3A_187 = arith.cmpi ne, %convert_element_type3A_185, %cond3A_186 : i32
      scf.if %cond3A_187 {
        %add3A_210 = arith.constant 3 : i32
        %add3A_211 = arith.addi %add3A_175, %add3A_210 : i32
        %dma_start3A_212 = arith.constant 2 : i32
        %dma_start3A_213 = arith.constant 0 : i32
        %dma_start3A_214 = arith.constant 0 : i32
        %dma_start3A_215 = tpu.memref_slice %arg8[%dma_start3A_212, %dma_start3A_213, %dma_start3A_214] : memref<4x128x16xf32, #tpu.memory_space<vmem>> -> memref<1x128x16xf32, #tpu.memory_space<vmem>>
        %dma_start3A_216 = tpu.memref_squeeze %dma_start3A_215 : memref<1x128x16xf32, #tpu.memory_space<vmem>> -> memref<128x16xf32, #tpu.memory_space<vmem>>
        %dma_start3A_217 = arith.constant 0 : i32
        %dma_start3A_218 = tpu.memref_slice %arg6[%add3A_211, %dma_start3A_217] : memref<80x128xi32, #tpu.memory_space<vmem>> -> memref<1x128xi32, #tpu.memory_space<vmem>>
        %dma_start3A_219 = tpu.memref_squeeze %dma_start3A_218 : memref<1x128xi32, #tpu.memory_space<vmem>> -> memref<128xi32, #tpu.memory_space<vmem>>
        %dma_start3A_220 = arith.constant 0 : i32
        %dma_start3A_221 = arith.constant 0 : i32
        %dma_start3A_222 = tpu.memref_slice %arg10[%dma_start3A_220, %dma_start3A_221] : memref<10000x16xf32, #tpu.memory_space<vmem_shared>> -> memref<10000x16xf32, #tpu.memory_space<vmem_shared>>
        tpu.enqueue_indirect_dma source(%dma_start3A_222 : memref<10000x16xf32, #tpu.memory_space<vmem_shared>>) target(%dma_start3A_216 : memref<128x16xf32, #tpu.memory_space<vmem>>) offsets(%dma_start3A_219 : memref<128xi32, #tpu.memory_space<vmem>>) semaphore(%arg13 : memref<!tpu.dma_semaphore, #tpu.memory_space<semaphore_mem>>)
      } else {
      }
      %dma_wait3A_188 = arith.constant 3 : i32
      %dma_wait3A_189 = arith.constant 0 : i32
      %dma_wait3A_190 = arith.constant 0 : i32
      %dma_wait3A_191 = tpu.memref_slice %arg8[%dma_wait3A_188, %dma_wait3A_189, %dma_wait3A_190] : memref<4x128x16xf32, #tpu.memory_space<vmem>> -> memref<1x128x16xf32, #tpu.memory_space<vmem>>
      %dma_wait3A_192 = tpu.memref_squeeze %dma_wait3A_191 : memref<1x128x16xf32, #tpu.memory_space<vmem>> -> memref<128x16xf32, #tpu.memory_space<vmem>>
      %dma_wait3A_193 = arith.constant 0 : i32
      %dma_wait3A_194 = tpu.memref_slice %arg6[%add3A_175, %dma_wait3A_193] : memref<80x128xi32, #tpu.memory_space<vmem>> -> memref<1x128xi32, #tpu.memory_space<vmem>>
      %dma_wait3A_195 = tpu.memref_squeeze %dma_wait3A_194 : memref<1x128xi32, #tpu.memory_space<vmem>> -> memref<128xi32, #tpu.memory_space<vmem>>
      %dma_wait3A_196 = arith.constant 0 : i32
      %dma_wait3A_197 = arith.constant 0 : i32
      %dma_wait3A_198 = tpu.memref_slice %arg10[%dma_wait3A_196, %dma_wait3A_197] : memref<10000x16xf32, #tpu.memory_space<vmem_shared>> -> memref<10000x16xf32, #tpu.memory_space<vmem_shared>>
      tpu.wait_indirect_dma semaphore(%arg14 : memref<!tpu.dma_semaphore, #tpu.memory_space<semaphore_mem>>) src(%dma_wait3A_198 : memref<10000x16xf32, #tpu.memory_space<vmem_shared>>) dst(%dma_wait3A_192 : memref<128x16xf32, #tpu.memory_space<vmem>>)
      %dma_start3A_199 = arith.constant 3 : i32
      %dma_start3A_200 = arith.constant 0 : i32
      %dma_start3A_201 = arith.constant 0 : i32
      %dma_start3A_202 = tpu.memref_slice %arg8[%dma_start3A_199, %dma_start3A_200, %dma_start3A_201] : memref<4x128x16xf32, #tpu.memory_space<vmem>> -> memref<1x128x16xf32, #tpu.memory_space<vmem>>
      %dma_start3A_203 = tpu.memref_squeeze %dma_start3A_202 : memref<1x128x16xf32, #tpu.memory_space<vmem>> -> memref<128x16xf32, #tpu.memory_space<vmem>>
      %dma_start3A_204 = arith.constant 0 : i32
      %dma_start3A_205 = tpu.memref_slice %arg7[%add3A_175, %dma_start3A_204] : memref<80x128xi32, #tpu.memory_space<vmem>> -> memref<1x128xi32, #tpu.memory_space<vmem>>
      %dma_start3A_206 = tpu.memref_squeeze %dma_start3A_205 : memref<1x128xi32, #tpu.memory_space<vmem>> -> memref<128xi32, #tpu.memory_space<vmem>>
      %dma_start3A_207 = arith.constant 0 : i32
      %dma_start3A_208 = arith.constant 0 : i32
      %dma_start3A_209 = tpu.memref_slice %arg9[%dma_start3A_207, %dma_start3A_208] : memref<10240x16xf32, #tpu.memory_space<vmem_shared>> -> memref<10240x16xf32, #tpu.memory_space<vmem_shared>>
      tpu.enqueue_indirect_dma source(%dma_start3A_203 : memref<128x16xf32, #tpu.memory_space<vmem>>) target(%dma_start3A_209 : memref<10240x16xf32, #tpu.memory_space<vmem_shared>>) offsets(%dma_start3A_206 : memref<128xi32, #tpu.memory_space<vmem>>) semaphore(%arg18 : memref<!tpu.dma_semaphore, #tpu.memory_space<semaphore_mem>>) {add = true}
    }
    %scan3A_48 = arith.constant 20 : i32
    %dma_wait3A = arith.constant 3 : i32
    %dma_wait3A_49 = arith.constant 0 : i32
    %dma_wait3A_50 = arith.constant 0 : i32
    %dma_wait3A_51 = arith.constant 0 : i32
    %dma_wait3A_52 = tpu.memref_slice %arg8[%dma_wait3A, %dma_wait3A_50, %dma_wait3A_51] : memref<4x128x16xf32, #tpu.memory_space<vmem>> -> memref<1x128x16xf32, #tpu.memory_space<vmem>>
    %dma_wait3A_53 = tpu.memref_squeeze %dma_wait3A_52 : memref<1x128x16xf32, #tpu.memory_space<vmem>> -> memref<128x16xf32, #tpu.memory_space<vmem>>
    %dma_wait3A_54 = arith.constant 0 : i32
    %dma_wait3A_55 = tpu.memref_slice %arg7[%dma_wait3A_49, %dma_wait3A_54] : memref<80x128xi32, #tpu.memory_space<vmem>> -> memref<1x128xi32, #tpu.memory_space<vmem>>
    %dma_wait3A_56 = tpu.memref_squeeze %dma_wait3A_55 : memref<1x128xi32, #tpu.memory_space<vmem>> -> memref<128xi32, #tpu.memory_space<vmem>>
    %dma_wait3A_57 = arith.constant 0 : i32
    %dma_wait3A_58 = arith.constant 0 : i32
    %dma_wait3A_59 = tpu.memref_slice %arg9[%dma_wait3A_57, %dma_wait3A_58] : memref<10240x16xf32, #tpu.memory_space<vmem_shared>> -> memref<10240x16xf32, #tpu.memory_space<vmem_shared>>
    tpu.wait_indirect_dma semaphore(%arg18 : memref<!tpu.dma_semaphore, #tpu.memory_space<semaphore_mem>>) src(%dma_wait3A_53 : memref<128x16xf32, #tpu.memory_space<vmem>>) dst(%dma_wait3A_59 : memref<10240x16xf32, #tpu.memory_space<vmem_shared>>)
    %barrier3A_60 = arith.constant 0 : index
    tpu.barrier barrier_id(%barrier3A_60)
    %mul3A_61 = arith.constant 640 : i32
    %mul3A_62 = arith.muli %arg1, %mul3A_61 : i32
    %mul3A_63 = arith.constant 640 : i32
    %mul3A_64 = arith.muli %arg1, %mul3A_63 : i32
    "tpu.region"() ({
      %run_scoped3A_65 = tpu.sem_alloc : memref<!tpu.dma_semaphore, #tpu.memory_space<semaphore_mem>>
      %dma_start3A_66 = arith.constant 0 : i32
      %dma_start3A_67 = tpu.memref_slice %arg5[%arg0, %mul3A_64, %dma_start3A_66] : memref<2x10240x16xf32, #tpu.memory_space<hbm>> -> memref<1x640x16xf32, #tpu.memory_space<hbm>>
      %dma_start3A_68 = tpu.memref_squeeze %dma_start3A_67 : memref<1x640x16xf32, #tpu.memory_space<hbm>> -> memref<640x16xf32, #tpu.memory_space<hbm>>
      %dma_start3A_69 = arith.constant 0 : i32
      %dma_start3A_70 = tpu.memref_slice %arg9[%mul3A_62, %dma_start3A_69] : memref<10240x16xf32, #tpu.memory_space<vmem_shared>> -> memref<640x16xf32, #tpu.memory_space<vmem_shared>>
      tpu.enqueue_dma source(%dma_start3A_70 : memref<640x16xf32, #tpu.memory_space<vmem_shared>>) target(%dma_start3A_68 : memref<640x16xf32, #tpu.memory_space<hbm>>) target_semaphore(%run_scoped3A_65 : memref<!tpu.dma_semaphore, #tpu.memory_space<semaphore_mem>>)
      %dma_wait3A_71 = arith.constant 0 : i32
      %dma_wait3A_72 = tpu.memref_slice %arg5[%arg0, %mul3A_64, %dma_wait3A_71] : memref<2x10240x16xf32, #tpu.memory_space<hbm>> -> memref<1x640x16xf32, #tpu.memory_space<hbm>>
      %dma_wait3A_73 = tpu.memref_squeeze %dma_wait3A_72 : memref<1x640x16xf32, #tpu.memory_space<hbm>> -> memref<640x16xf32, #tpu.memory_space<hbm>>
      %dma_wait3A_74 = arith.constant 0 : i32
      %dma_wait3A_75 = tpu.memref_slice %arg9[%mul3A_62, %dma_wait3A_74] : memref<10240x16xf32, #tpu.memory_space<vmem_shared>> -> memref<640x16xf32, #tpu.memory_space<vmem_shared>>
      tpu.wait_dma2 semaphore(%run_scoped3A_65 : memref<!tpu.dma_semaphore, #tpu.memory_space<semaphore_mem>>) src(%dma_wait3A_75 : memref<640x16xf32, #tpu.memory_space<vmem_shared>>) dst(%dma_wait3A_73 : memref<640x16xf32, #tpu.memory_space<hbm>>)
      tpu.yield
    }) : () -> ()
    return
  }
}

module attributes {stable_mosaic.version = 14 : i64} {
  func.func @body(%arg0: memref<1250x1024xf32, #tpu.memory_space<vmem>>, %arg1: memref<1024x128xf32, #tpu.memory_space<vmem>>, %arg2: memref<1250x128xf32, #tpu.memory_space<vmem>>) attributes {dimension_semantics = [], scalar_prefetch = 0 : i64, scratch_operands = 0 : i64, tpu.core_type = #tpu.core_type<tc>} {
    %get3A = arith.constant 0 : index
    %get3A_0 = arith.constant 0 : index
    %get3A_1 = vector.load %arg0[%get3A, %get3A_0] : memref<1250x1024xf32, #tpu.memory_space<vmem>>, vector<1250x1024xf32>
    %get3A_2 = arith.constant 0 : index
    %get3A_3 = arith.constant 0 : index
    %get3A_4 = vector.load %arg1[%get3A_2, %get3A_3] : memref<1024x128xf32, #tpu.memory_space<vmem>>, vector<1024x128xf32>
    %dot_general3A = arith.constant dense<0.000000e+00> : vector<1250x128xf32>
    %dot_general3A_5 = tpu.matmul %get3A_1, %get3A_4, %dot_general3A {dimension_numbers = #tpu.dot_dimension_numbers<[1], [0], [0], [1], [0, 0, 1, 1], [], []>, transpose_lhs_hint = false} : vector<1250x1024xf32>, vector<1024x128xf32>, vector<1250x128xf32> -> vector<1250x128xf32>
    %swap3A = arith.constant 0 : index
    %swap3A_6 = arith.constant 0 : index
    %swap3A_7 = vector.load %arg2[%swap3A, %swap3A_6] : memref<1250x128xf32, #tpu.memory_space<vmem>>, vector<1250x128xf32>
    tpu.vector_store %arg2[%swap3A, %swap3A_6], %dot_general3A_5 {strides = array<i32>} : memref<1250x128xf32, #tpu.memory_space<vmem>>, vector<1250x128xf32>,
    return
  }
}

module attributes {stable_mosaic.version = 14 : i64} {
  func.func @body(%arg0: memref<2x1280x128xf32, #tpu.memory_space<vmem>>, %arg1: memref<1250x128xf32, #tpu.memory_space<vmem>>, %arg2: memref<1250x128xf32, #tpu.memory_space<vmem>>, %arg3: memref<1250x128xf32, #tpu.memory_space<vmem>>) attributes {dimension_semantics = [], scalar_prefetch = 0 : i64, scratch_operands = 0 : i64, tpu.core_type = #tpu.core_type<tc>} {
    %get3A = arith.constant 0 : index
    %get3A_0 = arith.constant 0 : index
    %get3A_1 = arith.constant 0 : index
    %get3A_2 = vector.load %arg0[%get3A, %get3A_0, %get3A_1] : memref<2x1280x128xf32, #tpu.memory_space<vmem>>, vector<1x1250x128xf32>
    %get3A_3 = vector.shape_cast %get3A_2 : vector<1x1250x128xf32> to vector<1250x128xf32>
    %get3A_4 = arith.constant 1 : index
    %get3A_5 = arith.constant 0 : index
    %get3A_6 = arith.constant 0 : index
    %get3A_7 = vector.load %arg0[%get3A_4, %get3A_5, %get3A_6] : memref<2x1280x128xf32, #tpu.memory_space<vmem>>, vector<1x1250x128xf32>
    %get3A_8 = vector.shape_cast %get3A_7 : vector<1x1250x128xf32> to vector<1250x128xf32>
    %add3A = arith.addf %get3A_3, %get3A_8 : vector<1250x128xf32>
    %add3A_9 = arith.constant 1.000000e+00 : f32
    %add3A_10 = vector.broadcast %add3A_9 : f32 to vector<1250x128xf32>
    %add3A_11 = arith.addf %add3A, %add3A_10 : vector<1250x128xf32>
    %rsqrt3A = math.rsqrt %add3A_11 : vector<1250x128xf32>
    %swap3A = arith.constant 0 : index
    %swap3A_12 = arith.constant 0 : index
    %swap3A_13 = vector.load %arg3[%swap3A, %swap3A_12] : memref<1250x128xf32, #tpu.memory_space<vmem>>, vector<1250x128xf32>
    tpu.vector_store %arg3[%swap3A, %swap3A_12], %rsqrt3A {strides = array<i32>} : memref<1250x128xf32, #tpu.memory_space<vmem>>, vector<1250x128xf32>,
    %get3A_14 = arith.constant 0 : index
    %get3A_15 = arith.constant 0 : index
    %get3A_16 = vector.load %arg1[%get3A_14, %get3A_15] : memref<1250x128xf32, #tpu.memory_space<vmem>>, vector<1250x128xf32>
    %mul3A = arith.mulf %get3A_16, %rsqrt3A : vector<1250x128xf32>
    %swap3A_17 = arith.constant 0 : index
    %swap3A_18 = arith.constant 0 : index
    %swap3A_19 = vector.load %arg2[%swap3A_17, %swap3A_18] : memref<1250x128xf32, #tpu.memory_space<vmem>>, vector<1250x128xf32>
    tpu.vector_store %arg2[%swap3A_17, %swap3A_18], %mul3A {strides = array<i32>} : memref<1250x128xf32, #tpu.memory_space<vmem>>, vector<1250x128xf32>,
    return
  }
}

module attributes {stable_mosaic.version = 14 : i64} {
  func.func @body(%arg0: memref<2x1280x128xf32, #tpu.memory_space<vmem>>, %arg1: memref<1250x128xf32, #tpu.memory_space<vmem>>, %arg2: memref<1250x128xf32, #tpu.memory_space<vmem>>, %arg3: memref<1x128xf32, #tpu.memory_space<vmem>>, %arg4: memref<1250x128xf32, #tpu.memory_space<vmem>>) attributes {dimension_semantics = [], scalar_prefetch = 0 : i64, scratch_operands = 0 : i64, tpu.core_type = #tpu.core_type<tc>} {
    %get3A = arith.constant 0 : index
    %get3A_0 = arith.constant 0 : index
    %get3A_1 = arith.constant 0 : index
    %get3A_2 = vector.load %arg0[%get3A, %get3A_0, %get3A_1] : memref<2x1280x128xf32, #tpu.memory_space<vmem>>, vector<1x1250x128xf32>
    %get3A_3 = vector.shape_cast %get3A_2 : vector<1x1250x128xf32> to vector<1250x128xf32>
    %get3A_4 = arith.constant 1 : index
    %get3A_5 = arith.constant 0 : index
    %get3A_6 = arith.constant 0 : index
    %get3A_7 = vector.load %arg0[%get3A_4, %get3A_5, %get3A_6] : memref<2x1280x128xf32, #tpu.memory_space<vmem>>, vector<1x1250x128xf32>
    %get3A_8 = vector.shape_cast %get3A_7 : vector<1x1250x128xf32> to vector<1250x128xf32>
    %add3A = arith.addf %get3A_3, %get3A_8 : vector<1250x128xf32>
    %get3A_9 = arith.constant 0 : index
    %get3A_10 = arith.constant 0 : index
    %get3A_11 = vector.load %arg1[%get3A_9, %get3A_10] : memref<1250x128xf32, #tpu.memory_space<vmem>>, vector<1250x128xf32>
    %add3A_12 = arith.addf %add3A, %get3A_11 : vector<1250x128xf32>
    %get3A_13 = arith.constant 0 : index
    %get3A_14 = arith.constant 0 : index
    %get3A_15 = vector.load %arg2[%get3A_13, %get3A_14] : memref<1250x128xf32, #tpu.memory_space<vmem>>, vector<1250x128xf32>
    %mul3A = arith.mulf %add3A_12, %get3A_15 : vector<1250x128xf32>
    %get3A_16 = arith.constant 0 : index
    %get3A_17 = arith.constant 0 : index
    %get3A_18 = vector.load %arg3[%get3A_16, %get3A_17] : memref<1x128xf32, #tpu.memory_space<vmem>>, vector<1x128xf32>
    %add3A_19 = vector.broadcast %get3A_18 : vector<1x128xf32> to vector<1250x128xf32>
    %add3A_20 = arith.addf %mul3A, %add3A_19 : vector<1250x128xf32>
    %max3A = arith.constant 0.000000e+00 : f32
    %max3A_21 = vector.broadcast %max3A : f32 to vector<1250x128xf32>
    %max3A_22 = arith.maximumf %add3A_20, %max3A_21 : vector<1250x128xf32>
    %get3A_23 = arith.constant 0 : index
    %get3A_24 = arith.constant 0 : index
    %get3A_25 = vector.load %arg2[%get3A_23, %get3A_24] : memref<1250x128xf32, #tpu.memory_space<vmem>>, vector<1250x128xf32>
    %mul3A_26 = arith.mulf %max3A_22, %get3A_25 : vector<1250x128xf32>
    %swap3A = arith.constant 0 : index
    %swap3A_27 = arith.constant 0 : index
    %swap3A_28 = vector.load %arg4[%swap3A, %swap3A_27] : memref<1250x128xf32, #tpu.memory_space<vmem>>, vector<1250x128xf32>
    tpu.vector_store %arg4[%swap3A, %swap3A_27], %mul3A_26 {strides = array<i32>} : memref<1250x128xf32, #tpu.memory_space<vmem>>, vector<1250x128xf32>,
    return
  }
}

module attributes {stable_mosaic.version = 14 : i64} {
  func.func @body(%arg0: memref<2x1280x128xf32, #tpu.memory_space<vmem>>, %arg1: memref<1250x128xf32, #tpu.memory_space<vmem>>, %arg2: memref<1250x128xf32, #tpu.memory_space<vmem>>, %arg3: memref<128x320xf32, #tpu.memory_space<vmem>>, %arg4: memref<1x320xf32, #tpu.memory_space<vmem>>, %arg5: memref<1250x320xf32, #tpu.memory_space<vmem>>) attributes {dimension_semantics = [], scalar_prefetch = 0 : i64, scratch_operands = 0 : i64, tpu.core_type = #tpu.core_type<tc>} {
    %get3A = arith.constant 0 : index
    %get3A_0 = arith.constant 0 : index
    %get3A_1 = arith.constant 0 : index
    %get3A_2 = vector.load %arg0[%get3A, %get3A_0, %get3A_1] : memref<2x1280x128xf32, #tpu.memory_space<vmem>>, vector<1x1250x128xf32>
    %get3A_3 = vector.shape_cast %get3A_2 : vector<1x1250x128xf32> to vector<1250x128xf32>
    %get3A_4 = arith.constant 1 : index
    %get3A_5 = arith.constant 0 : index
    %get3A_6 = arith.constant 0 : index
    %get3A_7 = vector.load %arg0[%get3A_4, %get3A_5, %get3A_6] : memref<2x1280x128xf32, #tpu.memory_space<vmem>>, vector<1x1250x128xf32>
    %get3A_8 = vector.shape_cast %get3A_7 : vector<1x1250x128xf32> to vector<1250x128xf32>
    %add3A = arith.addf %get3A_3, %get3A_8 : vector<1250x128xf32>
    %get3A_9 = arith.constant 0 : index
    %get3A_10 = arith.constant 0 : index
    %get3A_11 = vector.load %arg1[%get3A_9, %get3A_10] : memref<1250x128xf32, #tpu.memory_space<vmem>>, vector<1250x128xf32>
    %add3A_12 = arith.addf %add3A, %get3A_11 : vector<1250x128xf32>
    %get3A_13 = arith.constant 0 : index
    %get3A_14 = arith.constant 0 : index
    %get3A_15 = vector.load %arg2[%get3A_13, %get3A_14] : memref<1250x128xf32, #tpu.memory_space<vmem>>, vector<1250x128xf32>
    %mul3A = arith.mulf %add3A_12, %get3A_15 : vector<1250x128xf32>
    %get3A_16 = arith.constant 0 : index
    %get3A_17 = arith.constant 0 : index
    %get3A_18 = vector.load %arg3[%get3A_16, %get3A_17] : memref<128x320xf32, #tpu.memory_space<vmem>>, vector<128x320xf32>
    %dot_general3A = arith.constant dense<0.000000e+00> : vector<1250x320xf32>
    %dot_general3A_19 = tpu.matmul %mul3A, %get3A_18, %dot_general3A {dimension_numbers = #tpu.dot_dimension_numbers<[1], [0], [0], [1], [0, 0, 1, 1], [], []>, transpose_lhs_hint = false} : vector<1250x128xf32>, vector<128x320xf32>, vector<1250x320xf32> -> vector<1250x320xf32>
    %get3A_20 = arith.constant 0 : index
    %get3A_21 = arith.constant 0 : index
    %get3A_22 = vector.load %arg4[%get3A_20, %get3A_21] : memref<1x320xf32, #tpu.memory_space<vmem>>, vector<1x320xf32>
    %add3A_23 = vector.broadcast %get3A_22 : vector<1x320xf32> to vector<1250x320xf32>
    %add3A_24 = arith.addf %dot_general3A_19, %add3A_23 : vector<1250x320xf32>
    %swap3A = arith.constant 0 : index
    %swap3A_25 = arith.constant 0 : index
    %swap3A_26 = vector.load %arg5[%swap3A, %swap3A_25] : memref<1250x320xf32, #tpu.memory_space<vmem>>, vector<1250x320xf32>
    tpu.vector_store %arg5[%swap3A, %swap3A_25], %add3A_24 {strides = array<i32>} : memref<1250x320xf32, #tpu.memory_space<vmem>>, vector<1250x320xf32>,
    return
  }
}

</mosaic_0001>

<sc_bundles>
// kernel: kernel.12.cloned.1.call-start
scs
__scs_entry_jumppad:
0x0: {  	(pc) =	sbr.rel $0x88, $3  }
0x1: {  	(tag) =	ssettag $0x0;
	lr =	simm.s32 $0x1  }
0x2: {  	[smem:$0x3F9B] =	sst lr;
	_ =	strace $0xD0000000  }
0x3: {  	_ = 	snop  }
0x4: {  	_ = 	snop  }
0x5: {  	_ = 	snop  }
0x6: {  	_ = 	snop  }
0x7: {  	_ = 	snop  }
__scs_overlays_trampoline_lowered:
0x8: {  	[smem:$0x3FAA] =	sst s0  }
0x9: {  	[smem:$0x3FAB] =	sst s1  }
0xa: {  	[smem:$0x3FAC] =	sst s2  }
0xb: {  	[smem:$0x3FAD] =	sst s3  }
0xc: {  	[smem:$0x3FAE] =	sst s4  }
0xd: {  	[smem:$0x3FAF] =	sst s5  }
0xe: {  	[smem:$0x3FB0] =	sst s6  }
0xf: {  	[smem:$0x3FB1] =	sst s7  }
0x10: {  	[smem:$0x3FB2] =	sst s8  }
0x11: {  	[smem:$0x3FB3] =	sst s9;
	s0 =	simm.s32 @!p0 $0x0  }
0x12: {  	s1 =	sld [smem:$0x3F99];
	s0 =	simm.s32 @p0 $0x1  }
0x13: {  	[smem:$0x3FB4] =	sst s0;
	s0 =	simm.s32 @!p1 $0x0  }
0x14: {  	s2 =	sld [smem:$0x3F98];
	s0 =	simm.s32 @p1 $0x1  }
0x15: {  	[smem:$0x3FB5] =	sst s0;
	s0 =	simm.s32 @!p2 $0x0  }
0x16: {  	s3 =	sld [smem:$0x3FDB];
	s0 =	simm.s32 @p2 $0x1  }
0x17: {  	s4 =	simm.s32 $0x1BF5;
	[smem:$0x3FB7] =	sst s0  }
0x18: {  	s0 =	sld [smem:$0x3F9A];
	_ =	swait.ge [sflag:s4], $0x0  }
0x19: {  	s7 =	sld [smem:$0x3F9B]  }
0x1a: {  	s8 =	sadd.s32 $0xFFFFE003, lr  }
0x1b: {  	s9 =	sadd.s32 $0xFFFFFEF7, lr;
	s5 =	simm.s32 $0xFFFFFFFF;
	p2 =	slt.u32 s8, $0xFFFFF086  }
0x1c: {  	p1 =	slt.u32 s9, $0xF7A;
	s5 =	simm.s32 @!p2 $0x0  }
0x1d: {  	s5 =	simm.s32 @p1 $0x1;
	p0 =	seq.s32 s7, s2  }
0x1e: {  	s7 =	smul.u32 @!p0 $0xF7A, s2;
	p2 =	seq.s32 @!p0 s5, $0x0  }
0x1f: {  	s9 =	smul.u32 $0xF7A, s1;
	s8 =	simm.s32 @!p0 $0x1BF5;
	p2 =	por !p2, p0  }
0x20: {  	[sflag:s8] =	ssyncset.s32 @!p0 $0xFFFFF086;
	s6 =	sadd.s32 @!p0 s3, s7;
	s7 =	simm.s32 @!p0 $0x108  }
0x21: {  	s3 =	sadd.s32 s3, s9;
	s6 =	sadd.s32 @!p0 $0x88, s6;
	s7 =	simm.s32 @p2 $0x1082  }
0x22: {  	[simem:s7], [sflag:s8] =	dma.local @!p0 [hbm:s6], $0xF7A  }
0x23: {  	s9 =	sor.u32 $0xD0000000, s2;
	s6 =	simm.s32 $0x108;
	_ =	swait.ge @!p0 [sflag:s8], $0x0  }
0x24: {  	s3 =	sadd.s32 $0x88, s3;
	s6 =	simm.s32 @!p1 $0x1082;
	[sflag:s4] =	ssyncset.s32 $0xFFFFF086  }
0x25: {  	[simem:s6], [sflag:s4] =	dma.local [hbm:s3], $0xF7A  }
0x26: {  	[smem:$0x3F9B] =	sst s1;
	(tag) =	ssettag s2;
	_ =	strace s9  }
0x27: {  	s1 =	sld [smem:$0x3FAB]  }
0x28: {  	s2 =	sld [smem:$0x3FAC]  }
0x29: {  	s4 =	sld [smem:$0x3FAE]  }
0x2a: {  	p0 =	seq.s32 s5, $0x0;
	s5 =	sld [smem:$0x3FAF]  }
0x2b: {  	s6 =	sld [smem:$0x3FB0]  }
0x2c: {  	s7 =	sld [smem:$0x3FB1]  }
0x2d: {  	s3 =	simm.s32 $0x108;
	s8 =	sld [smem:$0x3FB2]  }
0x2e: {  	s3 =	simm.s32 @!p0 $0x1082;
	s9 =	sld [smem:$0x3FB3]  }
0x2f: {  	lr =	sadd.s32 s0, s3;
	s0 =	sld [smem:$0x3FAA]  }
0x30: {  	s3 =	sld [smem:$0x3FAD]  }
0x31: {  	[smem:$0x3FB6] =	sst s10  }
0x32: {  	s10 =	sld [smem:$0x3FB4];
	_ =	sdelay $0x3  }
0x33: {  	p0 =	seq.s32 s10, $0x1;
	s10 =	sld [smem:$0x3FB6];
	_ =	sdelay $0x3  }
0x34: {  	[smem:$0x3FB6] =	sst s10  }
0x35: {  	s10 =	sld [smem:$0x3FB5];
	_ =	sdelay $0x3  }
0x36: {  	p1 =	seq.s32 s10, $0x1;
	s10 =	sld [smem:$0x3FB6];
	_ =	sdelay $0x3  }
0x37: {  	[smem:$0x3FB6] =	sst s10  }
0x38: {  	s10 =	sld [smem:$0x3FB7]  }
0x39: {  	_ = 	snop;
	(pc) =	sbr.ind lr, $3  }
0x3a: {  	_ = 	snop  }
0x3b: {  	_ = 	snop  }
0x3c: {  	p2 =	seq.s32 s10, $0x1;
	s10 =	sld [smem:$0x3FB6]  }
0x3d: {  	_ =	shalt  }
0x3e: {  	_ =	shalt  }
0x3f: {  	_ =	shalt  }
0x40: {  	_ =	shalt  }
0x41: {  	_ =	shalt  }
0x42: {  	_ =	shalt  }
0x43: {  	_ =	shalt  }
0x44: {  	_ =	shalt  }
0x45: {  	_ =	shalt  }
0x46: {  	_ =	shalt  }
0x47: {  	_ =	shalt  }
0x48: {  	_ =	shalt  }
0x49: {  	_ =	shalt  }
0x4a: {  	_ =	shalt  }
0x4b: {  	_ =	shalt  }
0x4c: {  	_ =	shalt  }
0x4d: {  	_ =	shalt  }
0x4e: {  	_ =	shalt  }
0x4f: {  	_ =	shalt  }
0x50: {  	_ =	shalt  }
0x51: {  	_ =	shalt  }
0x52: {  	_ =	shalt  }
0x53: {  	_ =	shalt  }
0x54: {  	_ =	shalt  }
0x55: {  	_ =	shalt  }
0x56: {  	_ =	shalt  }
0x57: {  	_ =	shalt  }
0x58: {  	_ =	shalt  }
0x59: {  	_ =	shalt  }
0x5a: {  	_ =	shalt  }
0x5b: {  	_ =	shalt  }
0x5c: {  	_ =	shalt  }
0x5d: {  	_ =	shalt  }
0x5e: {  	_ =	shalt  }
0x5f: {  	_ =	shalt  }
0x60: {  	_ =	shalt  }
0x61: {  	_ =	shalt  }
0x62: {  	_ =	shalt  }
0x63: {  	_ =	shalt  }
0x64: {  	_ =	shalt  }
0x65: {  	_ =	shalt  }
0x66: {  	_ =	shalt  }
0x67: {  	_ =	shalt  }
0x68: {  	_ =	shalt  }
0x69: {  	_ =	shalt  }
0x6a: {  	_ =	shalt  }
0x6b: {  	_ =	shalt  }
0x6c: {  	_ =	shalt  }
0x6d: {  	_ =	shalt  }
0x6e: {  	_ =	shalt  }
0x6f: {  	_ =	shalt  }
0x70: {  	_ =	shalt  }
0x71: {  	_ =	shalt  }
0x72: {  	_ =	shalt  }
0x73: {  	_ =	shalt  }
0x74: {  	_ =	shalt  }
0x75: {  	_ =	shalt  }
0x76: {  	_ =	shalt  }
0x77: {  	_ =	shalt  }
0x78: {  	_ =	shalt  }
0x79: {  	_ =	shalt  }
0x7a: {  	_ =	shalt  }
0x7b: {  	_ =	shalt  }
0x7c: {  	_ =	shalt  }
0x7d: {  	_ =	shalt  }
0x7e: {  	_ =	shalt  }
0x7f: {  	_ =	shalt  }
0x80: {  	_ =	shalt  }
0x81: {  	_ =	shalt  }
0x82: {  	_ =	shalt  }
0x83: {  	_ =	shalt  }
0x84: {  	_ =	shalt  }
0x85: {  	_ =	shalt  }
0x86: {  	_ =	shalt  }
0x87: {  	_ =	shalt  }
.Lfunc_end0:
.L_simem_size_0:
called_computation.1_lowered:
.L_overlay_start_0:
0x88: {  	s2 =	sld [smem:$0x3FD9]  }
0x89: {  	s3 =	sld [smem:$0x3FFE];
	_ =	sdelay $0x1  }
0x8a: {  	s1 =	srdreg.scid  }
0x8b: {  	s0 =	sand.u32 $0x1, s1  }
0x8c: {  	s17 =	sshll.u32 s0, $0xA;
	s2 =	sadd.s32 s3, s2  }
0x8d: {  	s2 =	sadd.s32 s2, s17  }
0x8e: {  	[smem:$0x3FC2] =	sst s2  }
0x8f: {  	_ = 	snop  }
0x90: {  	s2 =	sld [smem:$0x3FD0];
	(tm) =	ssettm $0x1  }
0x91: {  	s18 =	sld [smem:$0x3FFB];
	_ =	sdelay $0x3  }
0x92: {  	_ =	strace s18  }
0x93: {  	s3 =	sld [smem:$0x3FFC];
	_ =	sdelay $0x3  }
0x94: {  	_ =	strace s3  }
0x95: {  	s3 =	sld [smem:$0x3FFD];
	_ =	sdelay $0x3  }
0x96: {  	_ =	strace s3  }
0x97: {  	_ =	strace $0x8FFFFFFF  }
0x98: {  	s19 =	sld [smem:$0x3FDB];
	_ =	sdelay $0x1  }
0x99: {  	s4 =	simm.s32 $_scs_section_size  }
0x9a: {  	s5 =	simm.s32 $_size__tile_overlayer_lowered;
	s6 =	simm.s32 $_tile_overlayer_lowered  }
0x9b: {  	s22 =	simm.s32 $0x1BFF;
	s21 =	sshll.u32 s6, $0x1;
	s3 =	sadd.s32 s4, s19  }
0x9c: {  	s7 =	simm.s32 $0x0;
	s20 =	sshll.u32 s5, $0x1;
	s5 =	sadd.s32 s21, s3  }
0x9d: {  	[timem:s7], [sflag:s22] =	dma.local [hbm:s5], s20  }
0x9e: {  	_ =	swait.ge [sflag:s22], s20  }
0x9f: {  	s4 =	ssub.s32 $0x0, s20;
	[sflag:s22] =	ssyncset.done $0x0  }
0xa0: {  	[sflag:s22] =	ssyncadd.s32 s4;
	_ =	sdelay $0x1  }
0xa1: {  	s23 =	simm.s32 $0x1B8B  }
0xa2: {  	_ =	swait.ge [sflag:s23], $0x1  }
0xa3: {  	[sflag:s23] =	ssyncset.done $0x0  }
0xa4: {  	s25 =	simm.s32 $0x1B8E;
	s24 =	sld [smem:$0x3FFE];
	[sflag:s23] =	ssyncadd.s32 $0xFFFFFFFF  }
0xa5: {  	s26 =	simm.s32 $execute0_lowered;
	[smem:$0x3FD2] =	sst s25  }
0xa6: {  	s5 =	sshll.u32 s26, $0x1;
	_ =	strace $0x80000049;
	[dreg:$0x1] =	wrdreg $0xFFFFFFFF  }
0xa7: {  	s28 =	simm.s32 $_size_execute0_lowered;
	s3 =	sadd.s32 s3, s5;
	[dreg:$0x0] =	wrdreg $0x0  }
0xa8: {  	s5 =	sshll.u32 s28, $0x1;
	[dreg:$0x2] =	wrdreg s3  }
0xa9: {  	[dreg:$0x3] =	wrdreg s5  }
0xaa: {  	[dreg:$0x4] =	wrdreg $0xC0  }
0xab: {  	_ =	task [dreg:s7], $0x5FFFF  }
0xac: {  	[dreg:$0x1] =	wrdreg $0xFFFFFFFF  }
0xad: {  	[dreg:$0x0] =	wrdreg $0x60  }
0xae: {  	[dreg:$0x2] =	wrdreg s24  }
0xaf: {  	[dreg:$0x3] =	wrdreg s2  }
0xb0: {  	[dreg:$0x4] =	wrdreg $0x70000  }
0xb1: {  	[dreg:$0x5] =	wrdreg $0x98000  }
0xb2: {  	[dreg:$0x6] =	wrdreg $0x9  }
0xb3: {  	_ =	task.clear_ibuf [dreg:s7], $0x7FFFF;
	_ =	strace $0x90000049  }
0xb4: {  	s29 =	simm.s32 $0x9;
	_ =	strace $0x8000004B  }
0xb5: {  	_ =	swait.ge [sflag:s29], $0x1  }
0xb6: {  	[sflag:s29] =	ssyncadd.s32 $0xFFFFFFFF  }
0xb7: {  	_ =	strace $0x9000004B  }
0xb8: {  	_ =	sfence  }
0xb9: {  	s30 =	sld [smem:$0x0];
	_ =	sdelay $0x2  }
0xba: {  	s31 =	sshll.u32 s1, $0xD;
	s1 =	sshrl.u32 s1, $0x2  }
0xbb: {  	s3 =	sand.u32 $0x4000, s31;
	s1 =	sadd.s32 s1, s30  }
0xbc: {  	s0 =	sor.u32 s3, s0;
	s1 =	sshll.u32 s1, $0x11  }
0xbd: {  	s0 =	sor.u32 s1, s0  }
0xbe: {  	s0 =	sadd.s32 $0x8F2B, s0  }
0xbf: {  	[sflag:s0] =	ssyncadd.remote.s32 $0x1  }
0xc0: {  	_ =	sfence.sel $0xFFFF  }
0xc1: {  	[dreg:$0x0] =	wrdreg $0xFFFFFFFF;
	(pc) =	sbr.abs _section_cstart, $3  }
0xc2: {  	[dreg:$0x1] =	wrdreg $0xFFFFFFFF  }
0xc3: {  	_ =	task.clear_ibuf [dreg:s7], $0x2FFFF;
	_ =	strace $0x9FFFFFFF  }
0xc4: {  	(tm) =	ssettm $0x7FFFFFFF  }
0xc5: {  	_ =	shalt  }
tec
execute0_lowered:
.L_overlay_start_1:
0x0: {  	(tag) =	ssettag $0x1  }
0x1: {  	s0 =	rddreg [dreg:$0x0]  }
0x2: {  	s1 =	rddreg [dreg:$0x1]  }
0x3: {  	s2 =	rddreg [dreg:$0x2]  }
0x4: {  	s3 =	rddreg [dreg:$0x3]  }
0x5: {  	s15 =	stileid.u32;
	s4 =	srdreg.scid;
	s16 =	simm.s32 $0x80  }
0x6: {  	s17 =	simm.s32 $0x5000;
	s18 =	simm.s32 $0x5800;
	s20 =	simm.s32 $0x6000  }
0x7: {  	s22 =	simm.s32 $0x6800;
	s23 =	simm.s32 $0x1;
	s29 =	simm.s32 $0x6  }
0x8: {  	s31 =	simm.s32 $0x3;
	s21 =	simm.s32 $0x4;
	s28 =	simm.s32 $0x8  }
0x9: {  	s5 =	sand.u32 $0x1, s4;
	s6 =	sshll.u32 s15, $0x1;
	s8 =	smul.u32 $0x2710, s15  }
0xa: {  	s4 =	simm.s32 $0x0;
	s9 =	smul.u32 $0x2800, s15;
	s30 =	sshll.u32 s15, $0x6  }
0xb: {  	s6 =	sor.u32 s5, s6;
	[smem:$0x7FF] =	sst s4;
	s13 =	smul.u32 $0x28000, s5  }
0xc: {  	s24 =	ssub.s32 $0x2, s5;
	s6 =	smul.u32 $0x2800, s6;
	_ =	strace $0x8000004A  }
0xd: {  	s7 =	sshrl.u32 s8, $0x3;
	s11 =	sshrl.u32 s9, $0x3;
	s12 =	sshrl.u32 s24, $0x1  }
0xe: {  	s14 =	sadd.s32 s9, s2;
	s26 =	sadd.s32 s8, s3;
	s10 =	sadd.s32 s7, s0  }
0xf: {  	s25 =	ssub.s32 s24, s12;
	s9 =	sadd.s32 s9, s13;
	s12 =	simm.s32 $0x2800  }
0x10: {  	s13 =	sor.u32 $0x1C09, s30;
	s14 =	sshrl.u32 s14, $0x3;
	s15 =	sshrl.u32 s26, $0x3  }
0x11: {  	s24 =	simm.s32 $0x5;
	s26 =	simm.s32 $0x2;
	s6 =	sshrl.u32 s6, $0x3  }
0x12: {  	s9 =	sshrl.u32 s9, $0x3;
	s8 =	sadd.s32 $0x1BC00, s10;
	s10 =	smax.u32 s25, $0x1  }
0x13: {  	s6 =	sadd.s32 s6, s0;
	s0 =	sadd.s32 s11, s0;
	s9 =	sadd.s32 s1, s9  }
0x14: {  	s11 =	simm.s32 $0x9;
	s1 =	simm.s32 $0x7;
	s5 =	sadd.s32 $0x2C00, s6  }
0x15: {  	s6 =	sadd.s32 $0xCC00, s6;
	s7 =	sadd.s32 $0x16C00, s0;
	s0 =	simm.s32 $0x0  }
.LBB2_1:
0x16: {  	[tilespmem:s4], [sflag:$0x9] =	stream.linear.gather [hbm4b:s5+s4], $0x2800, $0x38;
	[tilespmem:$0xBF10] =	vst v63  }
0x17: {  	_ =	swait.ge [sflag:s11], $0x2800  }
0x18: {  	[sflag:s11] =	ssyncset.done $0x0  }
0x19: {  	[sflag:s11] =	ssyncadd.s32 $0xFFFFD800  }
0x1a: {  	[tilespmem:s12], [sflag:$0x9] =	stream.linear.gather [hbm4b:s6+s4], $0x2800, $0x38;
	[tilespmem:$0xBF10] =	vst v63  }
0x1b: {  	_ =	swait.ge [sflag:s11], $0x2800  }
0x1c: {  	[sflag:s11] =	ssyncset.done $0x0  }
0x1d: {  	[sflag:s11] =	ssyncadd.s32 $0xFFFFD800  }
0x1e: {  	[spmem:s14], [sflag:s13] =	dma.local [hbm:s7], $0x500  }
0x1f: {  	_ =	swait.ge [sflag:s11], $0x500  }
0x20: {  	[sflag:s11] =	ssyncset.done $0x0  }
0x21: {  	[sflag:s11] =	ssyncadd.s32 $0xFFFFFB00  }
0x22: {  	[spmem:s15], [sflag:s13] =	dma.local [hbm:s8], $0x4E2  }
0x23: {  	_ =	swait.ge [sflag:s11], $0x4E2  }
0x24: {  	[sflag:s11] =	ssyncset.done $0x0  }
0x25: {  	[sflag:s11] =	ssyncadd.s32 $0xFFFFFB1E  }
0x26: {  	[bflag:$0x0] =	sbarrier.arrive $0xFFFF  }
0x27: {  	[tilespmem:s17], [sflag:$0x1] =	stream.indirect.gather [spmem:s3], $0x10, s4, s16, $0xb8;
	[tilespmem:$0xBF10] =	vst v63  }
0x28: {  	_ = 	snop  }
0x29: {  	[tilespmem:s18], [sflag:$0x2] =	stream.indirect.gather [spmem:s3], $0x10, s16, s16, $0xb8;
	[tilespmem:$0xBF10] =	vst v63  }
0x2a: {  	s19 =	simm.s32 $0x100  }
0x2b: {  	[tilespmem:s20], [sflag:$0x3] =	stream.indirect.gather [spmem:s3], $0x10, s19, s16, $0xb8;
	[tilespmem:$0xBF10] =	vst v63  }
0x2c: {  	s25 =	simm.s32 $0x180  }
0x2d: {  	[tilespmem:s22], [sflag:$0x4] =	stream.indirect.gather [spmem:s3], $0x10, s25, s16, $0xb8;
	[tilespmem:$0xBF10] =	vst v63  }
0x2e: {  	_ =	swait.ge [sflag:s23], $0x800  }
0x2f: {  	[sflag:s23] =	ssyncset.done $0x0  }
0x30: {  	[sflag:s23] =	ssyncadd.s32 $0xFFFFF800  }
0x31: {  	[spmem:s2] =	stream.indirect.scatter.add.f32 [tilespmem:s17], [sflag:$0x5], $0x10, s12, s16, $0xb8;
	[tilespmem:$0xBF10] =	vst v63  }
0x32: {  	_ =	swait.ge [sflag:s24], $0x800  }
0x33: {  	[sflag:s24] =	ssyncset.done $0x0  }
0x34: {  	s30 =	simm.s32 $0x200;
	[sflag:s24] =	ssyncadd.s32 $0xFFFFF800  }
0x35: {  	[tilespmem:s17], [sflag:$0x1] =	stream.indirect.gather [spmem:s3], $0x10, s30, s16, $0xb8;
	[tilespmem:$0xBF10] =	vst v63  }
0x36: {  	_ =	swait.ge [sflag:s26], $0x800  }
0x37: {  	[sflag:s26] =	ssyncset.done $0x0  }
0x38: {  	s25 =	simm.s32 $0x2880;
	[sflag:s26] =	ssyncadd.s32 $0xFFFFF800  }
0x39: {  	[spmem:s2] =	stream.indirect.scatter.add.f32 [tilespmem:s18], [sflag:$0x6], $0x10, s25, s16, $0xb8;
	[tilespmem:$0xBF10] =	vst v63  }
0x3a: {  	_ =	swait.ge [sflag:s29], $0x800  }
0x3b: {  	[sflag:s29] =	ssyncset.done $0x0  }
0x3c: {  	s30 =	simm.s32 $0x280;
	[sflag:s29] =	ssyncadd.s32 $0xFFFFF800  }
0x3d: {  	[tilespmem:s18], [sflag:$0x2] =	stream.indirect.gather [spmem:s3], $0x10, s30, s16, $0xb8;
	[tilespmem:$0xBF10] =	vst v63  }
0x3e: {  	_ =	swait.ge [sflag:s31], $0x800  }
0x3f: {  	[sflag:s31] =	ssyncset.done $0x0  }
0x40: {  	s25 =	simm.s32 $0x2900;
	[sflag:s31] =	ssyncadd.s32 $0xFFFFF800  }
0x41: {  	[spmem:s2] =	stream.indirect.scatter.add.f32 [tilespmem:s20], [sflag:$0x7], $0x10, s25, s16, $0xb8;
	[tilespmem:$0xBF10] =	vst v63  }
0x42: {  	_ =	swait.ge [sflag:s1], $0x800  }
0x43: {  	[sflag:s1] =	ssyncset.done $0x0  }
0x44: {  	s30 =	simm.s32 $0x300;
	[sflag:s1] =	ssyncadd.s32 $0xFFFFF800  }
0x45: {  	[tilespmem:s20], [sflag:$0x3] =	stream.indirect.gather [spmem:s3], $0x10, s30, s16, $0xb8;
	[tilespmem:$0xBF10] =	vst v63  }
0x46: {  	_ =	swait.ge [sflag:s21], $0x800  }
0x47: {  	[sflag:s21] =	ssyncset.done $0x0  }
0x48: {  	s25 =	simm.s32 $0x2980;
	[sflag:s21] =	ssyncadd.s32 $0xFFFFF800  }
0x49: {  	[spmem:s2] =	stream.indirect.scatter.add.f32 [tilespmem:s22], [sflag:$0x8], $0x10, s25, s16, $0xb8;
	[tilespmem:$0xBF10] =	vst v63  }
0x4a: {  	_ =	swait.ge [sflag:s28], $0x800  }
0x4b: {  	[sflag:s28] =	ssyncset.done $0x0  }
0x4c: {  	s30 =	simm.s32 $0x380;
	[sflag:s28] =	ssyncadd.s32 $0xFFFFF800  }
0x4d: {  	[tilespmem:s22], [sflag:$0x4] =	stream.indirect.gather [spmem:s3], $0x10, s30, s16, $0xb8;
	[tilespmem:$0xBF10] =	vst v63  }
0x4e: {  	_ =	swait.ge [sflag:s23], $0x800  }
0x4f: {  	[sflag:s23] =	ssyncset.done $0x0  }
0x50: {  	s25 =	simm.s32 $0x2A00;
	[sflag:s23] =	ssyncadd.s32 $0xFFFFF800  }
0x51: {  	[spmem:s2] =	stream.indirect.scatter.add.f32 [tilespmem:s17], [sflag:$0x5], $0x10, s25, s16, $0xb8;
	[tilespmem:$0xBF10] =	vst v63  }
0x52: {  	_ =	swait.ge [sflag:s24], $0x800  }
0x53: {  	[sflag:s24] =	ssyncset.done $0x0  }
0x54: {  	s30 =	simm.s32 $0x400;
	[sflag:s24] =	ssyncadd.s32 $0xFFFFF800  }
0x55: {  	[tilespmem:s17], [sflag:$0x1] =	stream.indirect.gather [spmem:s3], $0x10, s30, s16, $0xb8;
	[tilespmem:$0xBF10] =	vst v63  }
0x56: {  	_ =	swait.ge [sflag:s26], $0x800  }
0x57: {  	[sflag:s26] =	ssyncset.done $0x0  }
0x58: {  	s25 =	simm.s32 $0x2A80;
	[sflag:s26] =	ssyncadd.s32 $0xFFFFF800  }
0x59: {  	[spmem:s2] =	stream.indirect.scatter.add.f32 [tilespmem:s18], [sflag:$0x6], $0x10, s25, s16, $0xb8;
	[tilespmem:$0xBF10] =	vst v63  }
0x5a: {  	_ =	swait.ge [sflag:s29], $0x800  }
0x5b: {  	[sflag:s29] =	ssyncset.done $0x0  }
0x5c: {  	s30 =	simm.s32 $0x480;
	[sflag:s29] =	ssyncadd.s32 $0xFFFFF800  }
0x5d: {  	[tilespmem:s18], [sflag:$0x2] =	stream.indirect.gather [spmem:s3], $0x10, s30, s16, $0xb8;
	[tilespmem:$0xBF10] =	vst v63  }
0x5e: {  	_ =	swait.ge [sflag:s31], $0x800  }
0x5f: {  	[sflag:s31] =	ssyncset.done $0x0  }
0x60: {  	s25 =	simm.s32 $0x2B00;
	[sflag:s31] =	ssyncadd.s32 $0xFFFFF800  }
0x61: {  	[spmem:s2] =	stream.indirect.scatter.add.f32 [tilespmem:s20], [sflag:$0x7], $0x10, s25, s16, $0xb8;
	[tilespmem:$0xBF10] =	vst v63  }
0x62: {  	_ =	swait.ge [sflag:s1], $0x800  }
0x63: {  	[sflag:s1] =	ssyncset.done $0x0  }
0x64: {  	s30 =	simm.s32 $0x500;
	[sflag:s1] =	ssyncadd.s32 $0xFFFFF800  }
0x65: {  	[tilespmem:s20], [sflag:$0x3] =	stream.indirect.gather [spmem:s3], $0x10, s30, s16, $0xb8;
	[tilespmem:$0xBF10] =	vst v63  }
0x66: {  	_ =	swait.ge [sflag:s21], $0x800  }
0x67: {  	[sflag:s21] =	ssyncset.done $0x0  }
0x68: {  	s19 =	simm.s32 $0x800;
	s25 =	simm.s32 $0x2B80;
	[sflag:s21] =	ssyncadd.s32 $0xFFFFF800  }
.LBB2_2:
0x69: {  	[spmem:s2] =	stream.indirect.scatter.add.f32 [tilespmem:s22], [sflag:$0x8], $0x10, s25, s16, $0xb8;
	[tilespmem:$0xBF10] =	vst v63  }
0x6a: {  	s25 =	smov.u32 s19  }
0x6b: {  	p0 =	sne.s32 s19, $0x8800;
	s19 =	sadd.s32 $0x800, s19;
	_ =	swait.ge [sflag:s28], $0x800  }
0x6c: {  	s25 =	sshra.s32 s25, $0x2;
	[sflag:s28] =	ssyncset.done $0x0  }
0x6d: {  	s30 =	sadd.s32 $0x380, s25;
	[sflag:s28] =	ssyncadd.s32 $0xFFFFF800  }
0x6e: {  	[tilespmem:s22], [sflag:$0x4] =	stream.indirect.gather [spmem:s3], $0x10, s30, s16, $0xb8;
	[tilespmem:$0xBF10] =	vst v63  }
0x6f: {  	_ =	swait.ge [sflag:s23], $0x800  }
0x70: {  	[sflag:s23] =	ssyncset.done $0x0  }
0x71: {  	s30 =	sadd.s32 $0x2A00, s25;
	[sflag:s23] =	ssyncadd.s32 $0xFFFFF800  }
0x72: {  	[spmem:s2] =	stream.indirect.scatter.add.f32 [tilespmem:s17], [sflag:$0x5], $0x10, s30, s16, $0xb8;
	[tilespmem:$0xBF10] =	vst v63  }
0x73: {  	_ =	swait.ge [sflag:s24], $0x800  }
0x74: {  	[sflag:s24] =	ssyncset.done $0x0  }
0x75: {  	s30 =	sadd.s32 $0x400, s25;
	[sflag:s24] =	ssyncadd.s32 $0xFFFFF800  }
0x76: {  	[tilespmem:s17], [sflag:$0x1] =	stream.indirect.gather [spmem:s3], $0x10, s30, s16, $0xb8;
	[tilespmem:$0xBF10] =	vst v63  }
0x77: {  	_ =	swait.ge [sflag:s26], $0x800  }
0x78: {  	[sflag:s26] =	ssyncset.done $0x0  }
0x79: {  	s30 =	sadd.s32 $0x2A80, s25;
	[sflag:s26] =	ssyncadd.s32 $0xFFFFF800  }
0x7a: {  	[spmem:s2] =	stream.indirect.scatter.add.f32 [tilespmem:s18], [sflag:$0x6], $0x10, s30, s16, $0xb8;
	[tilespmem:$0xBF10] =	vst v63  }
0x7b: {  	_ =	swait.ge [sflag:s29], $0x800  }
0x7c: {  	[sflag:s29] =	ssyncset.done $0x0  }
0x7d: {  	s30 =	sadd.s32 $0x480, s25;
	[sflag:s29] =	ssyncadd.s32 $0xFFFFF800  }
0x7e: {  	[tilespmem:s18], [sflag:$0x2] =	stream.indirect.gather [spmem:s3], $0x10, s30, s16, $0xb8;
	[tilespmem:$0xBF10] =	vst v63  }
0x7f: {  	_ =	swait.ge [sflag:s31], $0x800  }
0x80: {  	[sflag:s31] =	ssyncset.done $0x0  }
0x81: {  	s30 =	sadd.s32 $0x2B00, s25;
	[sflag:s31] =	ssyncadd.s32 $0xFFFFF800  }
0x82: {  	[spmem:s2] =	stream.indirect.scatter.add.f32 [tilespmem:s20], [sflag:$0x7], $0x10, s30, s16, $0xb8;
	[tilespmem:$0xBF10] =	vst v63  }
0x83: {  	_ =	swait.ge [sflag:s1], $0x800  }
0x84: {  	[sflag:s1] =	ssyncset.done $0x0  }
.Ltmp0:
0x85: {  	s30 =	sadd.s32 $0x500, s25;
	[sflag:s1] =	ssyncadd.s32 $0xFFFFF800;
	(pc) =	sbr.rel @p0 .LBB2_2-.Ltmp0, $4  }
0x86: {  	[tilespmem:s20], [sflag:$0x3] =	stream.indirect.gather [spmem:s3], $0x10, s30, s16, $0xb8;
	[tilespmem:$0xBF10] =	vst v63  }
0x87: {  	_ =	swait.ge [sflag:s21], $0x800  }
0x88: {  	[sflag:s21] =	ssyncset.done $0x0  }
0x89: {  	s25 =	sadd.s32 $0x2B80, s25;
	[sflag:s21] =	ssyncadd.s32 $0xFFFFF800  }
0x8a: {  	[spmem:s2] =	stream.indirect.scatter.add.f32 [tilespmem:s22], [sflag:$0x8], $0x10, s25, s16, $0xb8;
	[tilespmem:$0xBF10] =	vst v63  }
0x8b: {  	_ =	swait.ge [sflag:s28], $0x800  }
0x8c: {  	[sflag:s28] =	ssyncset.done $0x0  }
0x8d: {  	s19 =	simm.s32 $0x2780;
	[sflag:s28] =	ssyncadd.s32 $0xFFFFF800  }
0x8e: {  	[tilespmem:s22], [sflag:$0x4] =	stream.indirect.gather [spmem:s3], $0x10, s19, s16, $0xb8;
	[tilespmem:$0xBF10] =	vst v63  }
0x8f: {  	_ =	swait.ge [sflag:s23], $0x800  }
0x90: {  	[sflag:s23] =	ssyncset.done $0x0  }
0x91: {  	s25 =	simm.s32 $0x4E00;
	[sflag:s23] =	ssyncadd.s32 $0xFFFFF800  }
0x92: {  	[spmem:s2] =	stream.indirect.scatter.add.f32 [tilespmem:s17], [sflag:$0x5], $0x10, s25, s16, $0xb8;
	[tilespmem:$0xBF10] =	vst v63  }
0x93: {  	_ =	swait.ge [sflag:s24], $0x800  }
0x94: {  	[sflag:s24] =	ssyncset.done $0x0  }
0x95: {  	[sflag:s24] =	ssyncadd.s32 $0xFFFFF800  }
0x96: {  	_ =	swait.ge [sflag:s26], $0x800  }
0x97: {  	[sflag:s26] =	ssyncset.done $0x0  }
0x98: {  	s30 =	simm.s32 $0x4E80;
	[sflag:s26] =	ssyncadd.s32 $0xFFFFF800  }
0x99: {  	[spmem:s2] =	stream.indirect.scatter.add.f32 [tilespmem:s18], [sflag:$0x6], $0x10, s30, s16, $0xb8;
	[tilespmem:$0xBF10] =	vst v63  }
0x9a: {  	_ =	swait.ge [sflag:s29], $0x800  }
0x9b: {  	[sflag:s29] =	ssyncset.done $0x0  }
0x9c: {  	[sflag:s29] =	ssyncadd.s32 $0xFFFFF800  }
0x9d: {  	_ =	swait.ge [sflag:s31], $0x800  }
0x9e: {  	[sflag:s31] =	ssyncset.done $0x0  }
0x9f: {  	s25 =	simm.s32 $0x4F00;
	[sflag:s31] =	ssyncadd.s32 $0xFFFFF800  }
0xa0: {  	[spmem:s2] =	stream.indirect.scatter.add.f32 [tilespmem:s20], [sflag:$0x7], $0x10, s25, s16, $0xb8;
	[tilespmem:$0xBF10] =	vst v63  }
0xa1: {  	_ =	swait.ge [sflag:s1], $0x800  }
0xa2: {  	[sflag:s1] =	ssyncset.done $0x0  }
0xa3: {  	[sflag:s1] =	ssyncadd.s32 $0xFFFFF800  }
0xa4: {  	_ =	swait.ge [sflag:s21], $0x800  }
0xa5: {  	[sflag:s21] =	ssyncset.done $0x0  }
0xa6: {  	s30 =	simm.s32 $0x4F80;
	[sflag:s21] =	ssyncadd.s32 $0xFFFFF800  }
0xa7: {  	[spmem:s2] =	stream.indirect.scatter.add.f32 [tilespmem:s22], [sflag:$0x8], $0x10, s30, s16, $0xb8;
	[tilespmem:$0xBF10] =	vst v63  }
0xa8: {  	_ =	swait.ge [sflag:s28], $0x800  }
0xa9: {  	s0 =	sadd.s32 $0x1, s0;
	[sflag:s28] =	ssyncset.done $0x0  }
0xaa: {  	p0 =	sne.s32 s0, s10;
	[sflag:s28] =	ssyncadd.s32 $0xFFFFF800  }
.Ltmp1:
0xab: {  	[bflag:$0x0] =	sbarrier.arrive $0xFFFF;
	(pc) =	sbr.rel @p0 .LBB2_1-.Ltmp1, $4  }
0xac: {  	[hbm:s9], [sflag:s13] =	dma.local [spmem:s14], $0x500  }
0xad: {  	_ =	swait.ge [sflag:s11], $0x500  }
0xae: {  	[sflag:s11] =	ssyncset.done $0x0  }
0xaf: {  	[sflag:s11] =	ssyncadd.s32 $0xFFFFFB00  }
0xb0: {  	_ =	sfence.sel $0x180000  }
0xb1: {  	[bflag:$0x0] =	sbarrier.arrive $0xFFFF  }
0xb2: {  	_ =	strace $0x9000004A  }
0xb3: {  	s0 =	stileid.u32;
	[bflag:$0x2] =	sbarrier.arrive $0xFFFF  }
0xb4: {  	p0 =	sne.s32 s0, $0x0;
	s0 =	rddreg [dreg:$0x4]  }
0xb5: {  	s0 =	sadd.s32 @!p0 $0x100000, s0  }
0xb6: {  	[sflag:s0] =	ssyncadd.tile.s32 @!p0 $0x1;
	_ =	shalt  }
.Lfunc_end2:
_tile_overlayer_lowered:
.L_overlay_start_2:
0xb7: {  	(tag) =	ssettag $0x2  }
0xb8: {  	s0 =	rddreg [dreg:$0x0];
	s2 =	stileid.u32  }
0xb9: {  	s1 =	rddreg [dreg:$0x1];
	p0 =	sne.s32 s2, $0x0  }
0xba: {  	s3 =	rddreg [dreg:$0x2];
	[bflag:$0x3] =	sbarrier.arrive $0xFFFF;
	s2 =	simm.s32 @!p0 $0x1C09  }
0xbb: {  	[timem:s3], [sflag:s2] =	dma.local @!p0 [hbm:s0], s1  }
0xbc: {  	s0 =	simm.s32 @!p0 $0x9  }
0xbd: {  	_ =	swait.ge @!p0 [sflag:s0], s1  }
0xbe: {  	s1 =	ssub.s32 @!p0 $0x0, s1;
	[sflag:s0] =	ssyncset.done @!p0 $0x0  }
0xbf: {  	[sflag:s0] =	ssyncadd.s32 @!p0 s1  }
0xc0: {  	[bflag:$0x3] =	sbarrier.arrive $0xFFFF  }
0xc1: {  	_ =	shalt  }

// kernel: kernel.15.cloned.1.call-start
scs
__scs_entry_jumppad:
0x0: {  	(pc) =	sbr.rel $0x88, $3  }
0x1: {  	(tag) =	ssettag $0x0;
	lr =	simm.s32 $0x1  }
0x2: {  	[smem:$0x3F9B] =	sst lr;
	_ =	strace $0xD0000000  }
0x3: {  	_ = 	snop  }
0x4: {  	_ = 	snop  }
0x5: {  	_ = 	snop  }
0x6: {  	_ = 	snop  }
0x7: {  	_ = 	snop  }
__scs_overlays_trampoline_lowered:
0x8: {  	[smem:$0x3FAA] =	sst s0  }
0x9: {  	[smem:$0x3FAB] =	sst s1  }
0xa: {  	[smem:$0x3FAC] =	sst s2  }
0xb: {  	[smem:$0x3FAD] =	sst s3  }
0xc: {  	[smem:$0x3FAE] =	sst s4  }
0xd: {  	[smem:$0x3FAF] =	sst s5  }
0xe: {  	[smem:$0x3FB0] =	sst s6  }
0xf: {  	[smem:$0x3FB1] =	sst s7  }
0x10: {  	[smem:$0x3FB2] =	sst s8  }
0x11: {  	[smem:$0x3FB3] =	sst s9;
	s0 =	simm.s32 @!p0 $0x0  }
0x12: {  	s1 =	sld [smem:$0x3F99];
	s0 =	simm.s32 @p0 $0x1  }
0x13: {  	[smem:$0x3FB4] =	sst s0;
	s0 =	simm.s32 @!p1 $0x0  }
0x14: {  	s2 =	sld [smem:$0x3F98];
	s0 =	simm.s32 @p1 $0x1  }
0x15: {  	[smem:$0x3FB5] =	sst s0;
	s0 =	simm.s32 @!p2 $0x0  }
0x16: {  	s3 =	sld [smem:$0x3FDB];
	s0 =	simm.s32 @p2 $0x1  }
0x17: {  	s4 =	simm.s32 $0x1BF5;
	[smem:$0x3FB7] =	sst s0  }
0x18: {  	s0 =	sld [smem:$0x3F9A];
	_ =	swait.ge [sflag:s4], $0x0  }
0x19: {  	s7 =	sld [smem:$0x3F9B]  }
0x1a: {  	s8 =	sadd.s32 $0xFFFFE003, lr  }
0x1b: {  	s9 =	sadd.s32 $0xFFFFFEF7, lr;
	s5 =	simm.s32 $0xFFFFFFFF;
	p2 =	slt.u32 s8, $0xFFFFF086  }
0x1c: {  	p1 =	slt.u32 s9, $0xF7A;
	s5 =	simm.s32 @!p2 $0x0  }
0x1d: {  	s5 =	simm.s32 @p1 $0x1;
	p0 =	seq.s32 s7, s2  }
0x1e: {  	s7 =	smul.u32 @!p0 $0xF7A, s2;
	p2 =	seq.s32 @!p0 s5, $0x0  }
0x1f: {  	s9 =	smul.u32 $0xF7A, s1;
	s8 =	simm.s32 @!p0 $0x1BF5;
	p2 =	por !p2, p0  }
0x20: {  	[sflag:s8] =	ssyncset.s32 @!p0 $0xFFFFF086;
	s6 =	sadd.s32 @!p0 s3, s7;
	s7 =	simm.s32 @!p0 $0x108  }
0x21: {  	s3 =	sadd.s32 s3, s9;
	s6 =	sadd.s32 @!p0 $0x88, s6;
	s7 =	simm.s32 @p2 $0x1082  }
0x22: {  	[simem:s7], [sflag:s8] =	dma.local @!p0 [hbm:s6], $0xF7A  }
0x23: {  	s9 =	sor.u32 $0xD0000000, s2;
	s6 =	simm.s32 $0x108;
	_ =	swait.ge @!p0 [sflag:s8], $0x0  }
0x24: {  	s3 =	sadd.s32 $0x88, s3;
	s6 =	simm.s32 @!p1 $0x1082;
	[sflag:s4] =	ssyncset.s32 $0xFFFFF086  }
0x25: {  	[simem:s6], [sflag:s4] =	dma.local [hbm:s3], $0xF7A  }
0x26: {  	[smem:$0x3F9B] =	sst s1;
	(tag) =	ssettag s2;
	_ =	strace s9  }
0x27: {  	s1 =	sld [smem:$0x3FAB]  }
0x28: {  	s2 =	sld [smem:$0x3FAC]  }
0x29: {  	s4 =	sld [smem:$0x3FAE]  }
0x2a: {  	p0 =	seq.s32 s5, $0x0;
	s5 =	sld [smem:$0x3FAF]  }
0x2b: {  	s6 =	sld [smem:$0x3FB0]  }
0x2c: {  	s7 =	sld [smem:$0x3FB1]  }
0x2d: {  	s3 =	simm.s32 $0x108;
	s8 =	sld [smem:$0x3FB2]  }
0x2e: {  	s3 =	simm.s32 @!p0 $0x1082;
	s9 =	sld [smem:$0x3FB3]  }
0x2f: {  	lr =	sadd.s32 s0, s3;
	s0 =	sld [smem:$0x3FAA]  }
0x30: {  	s3 =	sld [smem:$0x3FAD]  }
0x31: {  	[smem:$0x3FB6] =	sst s10  }
0x32: {  	s10 =	sld [smem:$0x3FB4];
	_ =	sdelay $0x3  }
0x33: {  	p0 =	seq.s32 s10, $0x1;
	s10 =	sld [smem:$0x3FB6];
	_ =	sdelay $0x3  }
0x34: {  	[smem:$0x3FB6] =	sst s10  }
0x35: {  	s10 =	sld [smem:$0x3FB5];
	_ =	sdelay $0x3  }
0x36: {  	p1 =	seq.s32 s10, $0x1;
	s10 =	sld [smem:$0x3FB6];
	_ =	sdelay $0x3  }
0x37: {  	[smem:$0x3FB6] =	sst s10  }
0x38: {  	s10 =	sld [smem:$0x3FB7]  }
0x39: {  	_ = 	snop;
	(pc) =	sbr.ind lr, $3  }
0x3a: {  	_ = 	snop  }
0x3b: {  	_ = 	snop  }
0x3c: {  	p2 =	seq.s32 s10, $0x1;
	s10 =	sld [smem:$0x3FB6]  }
0x3d: {  	_ =	shalt  }
0x3e: {  	_ =	shalt  }
0x3f: {  	_ =	shalt  }
0x40: {  	_ =	shalt  }
0x41: {  	_ =	shalt  }
0x42: {  	_ =	shalt  }
0x43: {  	_ =	shalt  }
0x44: {  	_ =	shalt  }
0x45: {  	_ =	shalt  }
0x46: {  	_ =	shalt  }
0x47: {  	_ =	shalt  }
0x48: {  	_ =	shalt  }
0x49: {  	_ =	shalt  }
0x4a: {  	_ =	shalt  }
0x4b: {  	_ =	shalt  }
0x4c: {  	_ =	shalt  }
0x4d: {  	_ =	shalt  }
0x4e: {  	_ =	shalt  }
0x4f: {  	_ =	shalt  }
0x50: {  	_ =	shalt  }
0x51: {  	_ =	shalt  }
0x52: {  	_ =	shalt  }
0x53: {  	_ =	shalt  }
0x54: {  	_ =	shalt  }
0x55: {  	_ =	shalt  }
0x56: {  	_ =	shalt  }
0x57: {  	_ =	shalt  }
0x58: {  	_ =	shalt  }
0x59: {  	_ =	shalt  }
0x5a: {  	_ =	shalt  }
0x5b: {  	_ =	shalt  }
0x5c: {  	_ =	shalt  }
0x5d: {  	_ =	shalt  }
0x5e: {  	_ =	shalt  }
0x5f: {  	_ =	shalt  }
0x60: {  	_ =	shalt  }
0x61: {  	_ =	shalt  }
0x62: {  	_ =	shalt  }
0x63: {  	_ =	shalt  }
0x64: {  	_ =	shalt  }
0x65: {  	_ =	shalt  }
0x66: {  	_ =	shalt  }
0x67: {  	_ =	shalt  }
0x68: {  	_ =	shalt  }
0x69: {  	_ =	shalt  }
0x6a: {  	_ =	shalt  }
0x6b: {  	_ =	shalt  }
0x6c: {  	_ =	shalt  }
0x6d: {  	_ =	shalt  }
0x6e: {  	_ =	shalt  }
0x6f: {  	_ =	shalt  }
0x70: {  	_ =	shalt  }
0x71: {  	_ =	shalt  }
0x72: {  	_ =	shalt  }
0x73: {  	_ =	shalt  }
0x74: {  	_ =	shalt  }
0x75: {  	_ =	shalt  }
0x76: {  	_ =	shalt  }
0x77: {  	_ =	shalt  }
0x78: {  	_ =	shalt  }
0x79: {  	_ =	shalt  }
0x7a: {  	_ =	shalt  }
0x7b: {  	_ =	shalt  }
0x7c: {  	_ =	shalt  }
0x7d: {  	_ =	shalt  }
0x7e: {  	_ =	shalt  }
0x7f: {  	_ =	shalt  }
0x80: {  	_ =	shalt  }
0x81: {  	_ =	shalt  }
0x82: {  	_ =	shalt  }
0x83: {  	_ =	shalt  }
0x84: {  	_ =	shalt  }
0x85: {  	_ =	shalt  }
0x86: {  	_ =	shalt  }
0x87: {  	_ =	shalt  }
.Lfunc_end0:
.L_simem_size_0:
called_computation.2_lowered:
.L_overlay_start_0:
0x88: {  	s2 =	sld [smem:$0x3FD9]  }
0x89: {  	s3 =	sld [smem:$0x3FFE];
	_ =	sdelay $0x1  }
0x8a: {  	s1 =	srdreg.scid  }
0x8b: {  	s0 =	sand.u32 $0x1, s1  }
0x8c: {  	s17 =	sshll.u32 s0, $0xA;
	s2 =	sadd.s32 s3, s2  }
0x8d: {  	s2 =	sadd.s32 s2, s17  }
0x8e: {  	[smem:$0x3FC2] =	sst s2  }
0x8f: {  	_ = 	snop  }
0x90: {  	s2 =	sld [smem:$0x3FD0];
	(tm) =	ssettm $0x1  }
0x91: {  	s18 =	sld [smem:$0x3FFB];
	_ =	sdelay $0x3  }
0x92: {  	_ =	strace s18  }
0x93: {  	s3 =	sld [smem:$0x3FFC];
	_ =	sdelay $0x3  }
0x94: {  	_ =	strace s3  }
0x95: {  	s3 =	sld [smem:$0x3FFD];
	_ =	sdelay $0x3  }
0x96: {  	_ =	strace s3  }
0x97: {  	_ =	strace $0x8FFFFFFF  }
0x98: {  	s19 =	sld [smem:$0x3FDB];
	_ =	sdelay $0x1  }
0x99: {  	s4 =	simm.s32 $_scs_section_size  }
0x9a: {  	s5 =	simm.s32 $_size__tile_overlayer_lowered;
	s6 =	simm.s32 $_tile_overlayer_lowered  }
0x9b: {  	s22 =	simm.s32 $0x1BFF;
	s21 =	sshll.u32 s6, $0x1;
	s3 =	sadd.s32 s4, s19  }
0x9c: {  	s7 =	simm.s32 $0x0;
	s20 =	sshll.u32 s5, $0x1;
	s5 =	sadd.s32 s21, s3  }
0x9d: {  	[timem:s7], [sflag:s22] =	dma.local [hbm:s5], s20  }
0x9e: {  	_ =	swait.ge [sflag:s22], s20  }
0x9f: {  	s4 =	ssub.s32 $0x0, s20;
	[sflag:s22] =	ssyncset.done $0x0  }
0xa0: {  	[sflag:s22] =	ssyncadd.s32 s4;
	_ =	sdelay $0x1  }
0xa1: {  	s23 =	simm.s32 $0x1B8B  }
0xa2: {  	_ =	swait.ge [sflag:s23], $0x1  }
0xa3: {  	[sflag:s23] =	ssyncset.done $0x0  }
0xa4: {  	s25 =	simm.s32 $0x1B8E;
	s24 =	sld [smem:$0x3FFE];
	[sflag:s23] =	ssyncadd.s32 $0xFFFFFFFF  }
0xa5: {  	s26 =	simm.s32 $execute0_lowered;
	[smem:$0x3FD2] =	sst s25  }
0xa6: {  	s5 =	sshll.u32 s26, $0x1;
	_ =	strace $0x8000004C;
	[dreg:$0x1] =	wrdreg $0xFFFFFFFF  }
0xa7: {  	s28 =	simm.s32 $_size_execute0_lowered;
	s3 =	sadd.s32 s3, s5;
	[dreg:$0x0] =	wrdreg $0x0  }
0xa8: {  	s5 =	sshll.u32 s28, $0x1;
	[dreg:$0x2] =	wrdreg s3  }
0xa9: {  	[dreg:$0x3] =	wrdreg s5  }
0xaa: {  	[dreg:$0x4] =	wrdreg $0xC0  }
0xab: {  	_ =	task [dreg:s7], $0x5FFFF  }
0xac: {  	[dreg:$0x1] =	wrdreg $0xFFFFFFFF  }
0xad: {  	[dreg:$0x0] =	wrdreg $0x60  }
0xae: {  	[dreg:$0x2] =	wrdreg s24  }
0xaf: {  	[dreg:$0x3] =	wrdreg s2  }
0xb0: {  	[dreg:$0x4] =	wrdreg $0x70000  }
0xb1: {  	[dreg:$0x5] =	wrdreg $0x98000  }
0xb2: {  	[dreg:$0x6] =	wrdreg $0x9  }
0xb3: {  	_ =	task.clear_ibuf [dreg:s7], $0x7FFFF;
	_ =	strace $0x9000004C  }
0xb4: {  	s29 =	simm.s32 $0x9;
	_ =	strace $0x8000004E  }
0xb5: {  	_ =	swait.ge [sflag:s29], $0x1  }
0xb6: {  	[sflag:s29] =	ssyncadd.s32 $0xFFFFFFFF  }
0xb7: {  	_ =	strace $0x9000004E  }
0xb8: {  	_ =	sfence  }
0xb9: {  	s30 =	sld [smem:$0x0];
	_ =	sdelay $0x2  }
0xba: {  	s31 =	sshll.u32 s1, $0xD;
	s1 =	sshrl.u32 s1, $0x2  }
0xbb: {  	s3 =	sand.u32 $0x4000, s31;
	s1 =	sadd.s32 s1, s30  }
0xbc: {  	s0 =	sor.u32 s3, s0;
	s1 =	sshll.u32 s1, $0x11  }
0xbd: {  	s0 =	sor.u32 s1, s0  }
0xbe: {  	s0 =	sadd.s32 $0x8F2B, s0  }
0xbf: {  	[sflag:s0] =	ssyncadd.remote.s32 $0x1  }
0xc0: {  	_ =	sfence.sel $0xFFFF  }
0xc1: {  	[dreg:$0x0] =	wrdreg $0xFFFFFFFF;
	(pc) =	sbr.abs _section_cstart, $3  }
0xc2: {  	[dreg:$0x1] =	wrdreg $0xFFFFFFFF  }
0xc3: {  	_ =	task.clear_ibuf [dreg:s7], $0x2FFFF;
	_ =	strace $0x9FFFFFFF  }
0xc4: {  	(tm) =	ssettm $0x7FFFFFFF  }
0xc5: {  	_ =	shalt  }
tec
execute0_lowered:
.L_overlay_start_1:
0x0: {  	(tag) =	ssettag $0x1  }
0x1: {  	s0 =	rddreg [dreg:$0x0]  }
0x2: {  	s1 =	rddreg [dreg:$0x1]  }
0x3: {  	s2 =	rddreg [dreg:$0x2]  }
0x4: {  	s3 =	rddreg [dreg:$0x3]  }
0x5: {  	s15 =	stileid.u32;
	s4 =	srdreg.scid;
	s16 =	simm.s32 $0x80  }
0x6: {  	s17 =	simm.s32 $0x5000;
	s18 =	simm.s32 $0x5800;
	s20 =	simm.s32 $0x6000  }
0x7: {  	s22 =	simm.s32 $0x6800;
	s23 =	simm.s32 $0x1;
	s29 =	simm.s32 $0x6  }
0x8: {  	s31 =	simm.s32 $0x3;
	s21 =	simm.s32 $0x4;
	s28 =	simm.s32 $0x8  }
0x9: {  	s5 =	sand.u32 $0x1, s4;
	s6 =	sshll.u32 s15, $0x1;
	s8 =	smul.u32 $0x2710, s15  }
0xa: {  	s4 =	simm.s32 $0x0;
	s9 =	smul.u32 $0x2800, s15;
	s30 =	sshll.u32 s15, $0x6  }
0xb: {  	s6 =	sor.u32 s5, s6;
	[smem:$0x7FF] =	sst s4;
	s13 =	smul.u32 $0x28000, s5  }
0xc: {  	s24 =	ssub.s32 $0x2, s5;
	s6 =	smul.u32 $0x2800, s6;
	_ =	strace $0x8000004D  }
0xd: {  	s7 =	sshrl.u32 s8, $0x3;
	s11 =	sshrl.u32 s9, $0x3;
	s12 =	sshrl.u32 s24, $0x1  }
0xe: {  	s14 =	sadd.s32 s9, s2;
	s26 =	sadd.s32 s8, s3;
	s10 =	sadd.s32 s7, s0  }
0xf: {  	s25 =	ssub.s32 s24, s12;
	s9 =	sadd.s32 s9, s13;
	s12 =	simm.s32 $0x2800  }
0x10: {  	s13 =	sor.u32 $0x1C09, s30;
	s14 =	sshrl.u32 s14, $0x3;
	s15 =	sshrl.u32 s26, $0x3  }
0x11: {  	s24 =	simm.s32 $0x5;
	s26 =	simm.s32 $0x2;
	s6 =	sshrl.u32 s6, $0x3  }
0x12: {  	s9 =	sshrl.u32 s9, $0x3;
	s8 =	sadd.s32 $0x1BC00, s10;
	s10 =	smax.u32 s25, $0x1  }
0x13: {  	s6 =	sadd.s32 s6, s0;
	s0 =	sadd.s32 s11, s0;
	s9 =	sadd.s32 s1, s9  }
0x14: {  	s11 =	simm.s32 $0x9;
	s1 =	simm.s32 $0x7;
	s5 =	sadd.s32 $0x2C00, s6  }
0x15: {  	s6 =	sadd.s32 $0xCC00, s6;
	s7 =	sadd.s32 $0x16C00, s0;
	s0 =	simm.s32 $0x0  }
.LBB2_1:
0x16: {  	[tilespmem:s4], [sflag:$0x9] =	stream.linear.gather [hbm4b:s5+s4], $0x2800, $0x38;
	[tilespmem:$0xBF10] =	vst v63  }
0x17: {  	_ =	swait.ge [sflag:s11], $0x2800  }
0x18: {  	[sflag:s11] =	ssyncset.done $0x0  }
0x19: {  	[sflag:s11] =	ssyncadd.s32 $0xFFFFD800  }
0x1a: {  	[tilespmem:s12], [sflag:$0x9] =	stream.linear.gather [hbm4b:s6+s4], $0x2800, $0x38;
	[tilespmem:$0xBF10] =	vst v63  }
0x1b: {  	_ =	swait.ge [sflag:s11], $0x2800  }
0x1c: {  	[sflag:s11] =	ssyncset.done $0x0  }
0x1d: {  	[sflag:s11] =	ssyncadd.s32 $0xFFFFD800  }
0x1e: {  	[spmem:s14], [sflag:s13] =	dma.local [hbm:s7], $0x500  }
0x1f: {  	_ =	swait.ge [sflag:s11], $0x500  }
0x20: {  	[sflag:s11] =	ssyncset.done $0x0  }
0x21: {  	[sflag:s11] =	ssyncadd.s32 $0xFFFFFB00  }
0x22: {  	[spmem:s15], [sflag:s13] =	dma.local [hbm:s8], $0x4E2  }
0x23: {  	_ =	swait.ge [sflag:s11], $0x4E2  }
0x24: {  	[sflag:s11] =	ssyncset.done $0x0  }
0x25: {  	[sflag:s11] =	ssyncadd.s32 $0xFFFFFB1E  }
0x26: {  	[bflag:$0x0] =	sbarrier.arrive $0xFFFF  }
0x27: {  	[tilespmem:s17], [sflag:$0x1] =	stream.indirect.gather [spmem:s3], $0x10, s4, s16, $0xb8;
	[tilespmem:$0xBF10] =	vst v63  }
0x28: {  	_ = 	snop  }
0x29: {  	[tilespmem:s18], [sflag:$0x2] =	stream.indirect.gather [spmem:s3], $0x10, s16, s16, $0xb8;
	[tilespmem:$0xBF10] =	vst v63  }
0x2a: {  	s19 =	simm.s32 $0x100  }
0x2b: {  	[tilespmem:s20], [sflag:$0x3] =	stream.indirect.gather [spmem:s3], $0x10, s19, s16, $0xb8;
	[tilespmem:$0xBF10] =	vst v63  }
0x2c: {  	s25 =	simm.s32 $0x180  }
0x2d: {  	[tilespmem:s22], [sflag:$0x4] =	stream.indirect.gather [spmem:s3], $0x10, s25, s16, $0xb8;
	[tilespmem:$0xBF10] =	vst v63  }
0x2e: {  	_ =	swait.ge [sflag:s23], $0x800  }
0x2f: {  	[sflag:s23] =	ssyncset.done $0x0  }
0x30: {  	[sflag:s23] =	ssyncadd.s32 $0xFFFFF800  }
0x31: {  	[spmem:s2] =	stream.indirect.scatter.add.f32 [tilespmem:s17], [sflag:$0x5], $0x10, s12, s16, $0xb8;
	[tilespmem:$0xBF10] =	vst v63  }
0x32: {  	_ =	swait.ge [sflag:s24], $0x800  }
0x33: {  	[sflag:s24] =	ssyncset.done $0x0  }
0x34: {  	s30 =	simm.s32 $0x200;
	[sflag:s24] =	ssyncadd.s32 $0xFFFFF800  }
0x35: {  	[tilespmem:s17], [sflag:$0x1] =	stream.indirect.gather [spmem:s3], $0x10, s30, s16, $0xb8;
	[tilespmem:$0xBF10] =	vst v63  }
0x36: {  	_ =	swait.ge [sflag:s26], $0x800  }
0x37: {  	[sflag:s26] =	ssyncset.done $0x0  }
0x38: {  	s25 =	simm.s32 $0x2880;
	[sflag:s26] =	ssyncadd.s32 $0xFFFFF800  }
0x39: {  	[spmem:s2] =	stream.indirect.scatter.add.f32 [tilespmem:s18], [sflag:$0x6], $0x10, s25, s16, $0xb8;
	[tilespmem:$0xBF10] =	vst v63  }
0x3a: {  	_ =	swait.ge [sflag:s29], $0x800  }
0x3b: {  	[sflag:s29] =	ssyncset.done $0x0  }
0x3c: {  	s30 =	simm.s32 $0x280;
	[sflag:s29] =	ssyncadd.s32 $0xFFFFF800  }
0x3d: {  	[tilespmem:s18], [sflag:$0x2] =	stream.indirect.gather [spmem:s3], $0x10, s30, s16, $0xb8;
	[tilespmem:$0xBF10] =	vst v63  }
0x3e: {  	_ =	swait.ge [sflag:s31], $0x800  }
0x3f: {  	[sflag:s31] =	ssyncset.done $0x0  }
0x40: {  	s25 =	simm.s32 $0x2900;
	[sflag:s31] =	ssyncadd.s32 $0xFFFFF800  }
0x41: {  	[spmem:s2] =	stream.indirect.scatter.add.f32 [tilespmem:s20], [sflag:$0x7], $0x10, s25, s16, $0xb8;
	[tilespmem:$0xBF10] =	vst v63  }
0x42: {  	_ =	swait.ge [sflag:s1], $0x800  }
0x43: {  	[sflag:s1] =	ssyncset.done $0x0  }
0x44: {  	s30 =	simm.s32 $0x300;
	[sflag:s1] =	ssyncadd.s32 $0xFFFFF800  }
0x45: {  	[tilespmem:s20], [sflag:$0x3] =	stream.indirect.gather [spmem:s3], $0x10, s30, s16, $0xb8;
	[tilespmem:$0xBF10] =	vst v63  }
0x46: {  	_ =	swait.ge [sflag:s21], $0x800  }
0x47: {  	[sflag:s21] =	ssyncset.done $0x0  }
0x48: {  	s25 =	simm.s32 $0x2980;
	[sflag:s21] =	ssyncadd.s32 $0xFFFFF800  }
0x49: {  	[spmem:s2] =	stream.indirect.scatter.add.f32 [tilespmem:s22], [sflag:$0x8], $0x10, s25, s16, $0xb8;
	[tilespmem:$0xBF10] =	vst v63  }
0x4a: {  	_ =	swait.ge [sflag:s28], $0x800  }
0x4b: {  	[sflag:s28] =	ssyncset.done $0x0  }
0x4c: {  	s30 =	simm.s32 $0x380;
	[sflag:s28] =	ssyncadd.s32 $0xFFFFF800  }
0x4d: {  	[tilespmem:s22], [sflag:$0x4] =	stream.indirect.gather [spmem:s3], $0x10, s30, s16, $0xb8;
	[tilespmem:$0xBF10] =	vst v63  }
0x4e: {  	_ =	swait.ge [sflag:s23], $0x800  }
0x4f: {  	[sflag:s23] =	ssyncset.done $0x0  }
0x50: {  	s25 =	simm.s32 $0x2A00;
	[sflag:s23] =	ssyncadd.s32 $0xFFFFF800  }
0x51: {  	[spmem:s2] =	stream.indirect.scatter.add.f32 [tilespmem:s17], [sflag:$0x5], $0x10, s25, s16, $0xb8;
	[tilespmem:$0xBF10] =	vst v63  }
0x52: {  	_ =	swait.ge [sflag:s24], $0x800  }
0x53: {  	[sflag:s24] =	ssyncset.done $0x0  }
0x54: {  	s30 =	simm.s32 $0x400;
	[sflag:s24] =	ssyncadd.s32 $0xFFFFF800  }
0x55: {  	[tilespmem:s17], [sflag:$0x1] =	stream.indirect.gather [spmem:s3], $0x10, s30, s16, $0xb8;
	[tilespmem:$0xBF10] =	vst v63  }
0x56: {  	_ =	swait.ge [sflag:s26], $0x800  }
0x57: {  	[sflag:s26] =	ssyncset.done $0x0  }
0x58: {  	s25 =	simm.s32 $0x2A80;
	[sflag:s26] =	ssyncadd.s32 $0xFFFFF800  }
0x59: {  	[spmem:s2] =	stream.indirect.scatter.add.f32 [tilespmem:s18], [sflag:$0x6], $0x10, s25, s16, $0xb8;
	[tilespmem:$0xBF10] =	vst v63  }
0x5a: {  	_ =	swait.ge [sflag:s29], $0x800  }
0x5b: {  	[sflag:s29] =	ssyncset.done $0x0  }
0x5c: {  	s30 =	simm.s32 $0x480;
	[sflag:s29] =	ssyncadd.s32 $0xFFFFF800  }
0x5d: {  	[tilespmem:s18], [sflag:$0x2] =	stream.indirect.gather [spmem:s3], $0x10, s30, s16, $0xb8;
	[tilespmem:$0xBF10] =	vst v63  }
0x5e: {  	_ =	swait.ge [sflag:s31], $0x800  }
0x5f: {  	[sflag:s31] =	ssyncset.done $0x0  }
0x60: {  	s25 =	simm.s32 $0x2B00;
	[sflag:s31] =	ssyncadd.s32 $0xFFFFF800  }
0x61: {  	[spmem:s2] =	stream.indirect.scatter.add.f32 [tilespmem:s20], [sflag:$0x7], $0x10, s25, s16, $0xb8;
	[tilespmem:$0xBF10] =	vst v63  }
0x62: {  	_ =	swait.ge [sflag:s1], $0x800  }
0x63: {  	[sflag:s1] =	ssyncset.done $0x0  }
0x64: {  	s30 =	simm.s32 $0x500;
	[sflag:s1] =	ssyncadd.s32 $0xFFFFF800  }
0x65: {  	[tilespmem:s20], [sflag:$0x3] =	stream.indirect.gather [spmem:s3], $0x10, s30, s16, $0xb8;
	[tilespmem:$0xBF10] =	vst v63  }
0x66: {  	_ =	swait.ge [sflag:s21], $0x800  }
0x67: {  	[sflag:s21] =	ssyncset.done $0x0  }
0x68: {  	s19 =	simm.s32 $0x800;
	s25 =	simm.s32 $0x2B80;
	[sflag:s21] =	ssyncadd.s32 $0xFFFFF800  }
.LBB2_2:
0x69: {  	[spmem:s2] =	stream.indirect.scatter.add.f32 [tilespmem:s22], [sflag:$0x8], $0x10, s25, s16, $0xb8;
	[tilespmem:$0xBF10] =	vst v63  }
0x6a: {  	s25 =	smov.u32 s19  }
0x6b: {  	p0 =	sne.s32 s19, $0x8800;
	s19 =	sadd.s32 $0x800, s19;
	_ =	swait.ge [sflag:s28], $0x800  }
0x6c: {  	s25 =	sshra.s32 s25, $0x2;
	[sflag:s28] =	ssyncset.done $0x0  }
0x6d: {  	s30 =	sadd.s32 $0x380, s25;
	[sflag:s28] =	ssyncadd.s32 $0xFFFFF800  }
0x6e: {  	[tilespmem:s22], [sflag:$0x4] =	stream.indirect.gather [spmem:s3], $0x10, s30, s16, $0xb8;
	[tilespmem:$0xBF10] =	vst v63  }
0x6f: {  	_ =	swait.ge [sflag:s23], $0x800  }
0x70: {  	[sflag:s23] =	ssyncset.done $0x0  }
0x71: {  	s30 =	sadd.s32 $0x2A00, s25;
	[sflag:s23] =	ssyncadd.s32 $0xFFFFF800  }
0x72: {  	[spmem:s2] =	stream.indirect.scatter.add.f32 [tilespmem:s17], [sflag:$0x5], $0x10, s30, s16, $0xb8;
	[tilespmem:$0xBF10] =	vst v63  }
0x73: {  	_ =	swait.ge [sflag:s24], $0x800  }
0x74: {  	[sflag:s24] =	ssyncset.done $0x0  }
0x75: {  	s30 =	sadd.s32 $0x400, s25;
	[sflag:s24] =	ssyncadd.s32 $0xFFFFF800  }
0x76: {  	[tilespmem:s17], [sflag:$0x1] =	stream.indirect.gather [spmem:s3], $0x10, s30, s16, $0xb8;
	[tilespmem:$0xBF10] =	vst v63  }
0x77: {  	_ =	swait.ge [sflag:s26], $0x800  }
0x78: {  	[sflag:s26] =	ssyncset.done $0x0  }
0x79: {  	s30 =	sadd.s32 $0x2A80, s25;
	[sflag:s26] =	ssyncadd.s32 $0xFFFFF800  }
0x7a: {  	[spmem:s2] =	stream.indirect.scatter.add.f32 [tilespmem:s18], [sflag:$0x6], $0x10, s30, s16, $0xb8;
	[tilespmem:$0xBF10] =	vst v63  }
0x7b: {  	_ =	swait.ge [sflag:s29], $0x800  }
0x7c: {  	[sflag:s29] =	ssyncset.done $0x0  }
0x7d: {  	s30 =	sadd.s32 $0x480, s25;
	[sflag:s29] =	ssyncadd.s32 $0xFFFFF800  }
0x7e: {  	[tilespmem:s18], [sflag:$0x2] =	stream.indirect.gather [spmem:s3], $0x10, s30, s16, $0xb8;
	[tilespmem:$0xBF10] =	vst v63  }
0x7f: {  	_ =	swait.ge [sflag:s31], $0x800  }
0x80: {  	[sflag:s31] =	ssyncset.done $0x0  }
0x81: {  	s30 =	sadd.s32 $0x2B00, s25;
	[sflag:s31] =	ssyncadd.s32 $0xFFFFF800  }
0x82: {  	[spmem:s2] =	stream.indirect.scatter.add.f32 [tilespmem:s20], [sflag:$0x7], $0x10, s30, s16, $0xb8;
	[tilespmem:$0xBF10] =	vst v63  }
0x83: {  	_ =	swait.ge [sflag:s1], $0x800  }
0x84: {  	[sflag:s1] =	ssyncset.done $0x0  }
.Ltmp0:
0x85: {  	s30 =	sadd.s32 $0x500, s25;
	[sflag:s1] =	ssyncadd.s32 $0xFFFFF800;
	(pc) =	sbr.rel @p0 .LBB2_2-.Ltmp0, $4  }
0x86: {  	[tilespmem:s20], [sflag:$0x3] =	stream.indirect.gather [spmem:s3], $0x10, s30, s16, $0xb8;
	[tilespmem:$0xBF10] =	vst v63  }
0x87: {  	_ =	swait.ge [sflag:s21], $0x800  }
0x88: {  	[sflag:s21] =	ssyncset.done $0x0  }
0x89: {  	s25 =	sadd.s32 $0x2B80, s25;
	[sflag:s21] =	ssyncadd.s32 $0xFFFFF800  }
0x8a: {  	[spmem:s2] =	stream.indirect.scatter.add.f32 [tilespmem:s22], [sflag:$0x8], $0x10, s25, s16, $0xb8;
	[tilespmem:$0xBF10] =	vst v63  }
0x8b: {  	_ =	swait.ge [sflag:s28], $0x800  }
0x8c: {  	[sflag:s28] =	ssyncset.done $0x0  }
0x8d: {  	s19 =	simm.s32 $0x2780;
	[sflag:s28] =	ssyncadd.s32 $0xFFFFF800  }
0x8e: {  	[tilespmem:s22], [sflag:$0x4] =	stream.indirect.gather [spmem:s3], $0x10, s19, s16, $0xb8;
	[tilespmem:$0xBF10] =	vst v63  }
0x8f: {  	_ =	swait.ge [sflag:s23], $0x800  }
0x90: {  	[sflag:s23] =	ssyncset.done $0x0  }
0x91: {  	s25 =	simm.s32 $0x4E00;
	[sflag:s23] =	ssyncadd.s32 $0xFFFFF800  }
0x92: {  	[spmem:s2] =	stream.indirect.scatter.add.f32 [tilespmem:s17], [sflag:$0x5], $0x10, s25, s16, $0xb8;
	[tilespmem:$0xBF10] =	vst v63  }
0x93: {  	_ =	swait.ge [sflag:s24], $0x800  }
0x94: {  	[sflag:s24] =	ssyncset.done $0x0  }
0x95: {  	[sflag:s24] =	ssyncadd.s32 $0xFFFFF800  }
0x96: {  	_ =	swait.ge [sflag:s26], $0x800  }
0x97: {  	[sflag:s26] =	ssyncset.done $0x0  }
0x98: {  	s30 =	simm.s32 $0x4E80;
	[sflag:s26] =	ssyncadd.s32 $0xFFFFF800  }
0x99: {  	[spmem:s2] =	stream.indirect.scatter.add.f32 [tilespmem:s18], [sflag:$0x6], $0x10, s30, s16, $0xb8;
	[tilespmem:$0xBF10] =	vst v63  }
0x9a: {  	_ =	swait.ge [sflag:s29], $0x800  }
0x9b: {  	[sflag:s29] =	ssyncset.done $0x0  }
0x9c: {  	[sflag:s29] =	ssyncadd.s32 $0xFFFFF800  }
0x9d: {  	_ =	swait.ge [sflag:s31], $0x800  }
0x9e: {  	[sflag:s31] =	ssyncset.done $0x0  }
0x9f: {  	s25 =	simm.s32 $0x4F00;
	[sflag:s31] =	ssyncadd.s32 $0xFFFFF800  }
0xa0: {  	[spmem:s2] =	stream.indirect.scatter.add.f32 [tilespmem:s20], [sflag:$0x7], $0x10, s25, s16, $0xb8;
	[tilespmem:$0xBF10] =	vst v63  }
0xa1: {  	_ =	swait.ge [sflag:s1], $0x800  }
0xa2: {  	[sflag:s1] =	ssyncset.done $0x0  }
0xa3: {  	[sflag:s1] =	ssyncadd.s32 $0xFFFFF800  }
0xa4: {  	_ =	swait.ge [sflag:s21], $0x800  }
0xa5: {  	[sflag:s21] =	ssyncset.done $0x0  }
0xa6: {  	s30 =	simm.s32 $0x4F80;
	[sflag:s21] =	ssyncadd.s32 $0xFFFFF800  }
0xa7: {  	[spmem:s2] =	stream.indirect.scatter.add.f32 [tilespmem:s22], [sflag:$0x8], $0x10, s30, s16, $0xb8;
	[tilespmem:$0xBF10] =	vst v63  }
0xa8: {  	_ =	swait.ge [sflag:s28], $0x800  }
0xa9: {  	s0 =	sadd.s32 $0x1, s0;
	[sflag:s28] =	ssyncset.done $0x0  }
0xaa: {  	p0 =	sne.s32 s0, s10;
	[sflag:s28] =	ssyncadd.s32 $0xFFFFF800  }
.Ltmp1:
0xab: {  	[bflag:$0x0] =	sbarrier.arrive $0xFFFF;
	(pc) =	sbr.rel @p0 .LBB2_1-.Ltmp1, $4  }
0xac: {  	[hbm:s9], [sflag:s13] =	dma.local [spmem:s14], $0x500  }
0xad: {  	_ =	swait.ge [sflag:s11], $0x500  }
0xae: {  	[sflag:s11] =	ssyncset.done $0x0  }
0xaf: {  	[sflag:s11] =	ssyncadd.s32 $0xFFFFFB00  }
0xb0: {  	_ =	sfence.sel $0x180000  }
0xb1: {  	[bflag:$0x0] =	sbarrier.arrive $0xFFFF  }
0xb2: {  	_ =	strace $0x9000004D  }
0xb3: {  	s0 =	stileid.u32;
	[bflag:$0x2] =	sbarrier.arrive $0xFFFF  }
0xb4: {  	p0 =	sne.s32 s0, $0x0;
	s0 =	rddreg [dreg:$0x4]  }
0xb5: {  	s0 =	sadd.s32 @!p0 $0x100000, s0  }
0xb6: {  	[sflag:s0] =	ssyncadd.tile.s32 @!p0 $0x1;
	_ =	shalt  }
.Lfunc_end2:
_tile_overlayer_lowered:
.L_overlay_start_2:
0xb7: {  	(tag) =	ssettag $0x2  }
0xb8: {  	s0 =	rddreg [dreg:$0x0];
	s2 =	stileid.u32  }
0xb9: {  	s1 =	rddreg [dreg:$0x1];
	p0 =	sne.s32 s2, $0x0  }
0xba: {  	s3 =	rddreg [dreg:$0x2];
	[bflag:$0x3] =	sbarrier.arrive $0xFFFF;
	s2 =	simm.s32 @!p0 $0x1C09  }
0xbb: {  	[timem:s3], [sflag:s2] =	dma.local @!p0 [hbm:s0], s1  }
0xbc: {  	s0 =	simm.s32 @!p0 $0x9  }
0xbd: {  	_ =	swait.ge @!p0 [sflag:s0], s1  }
0xbe: {  	s1 =	ssub.s32 @!p0 $0x0, s1;
	[sflag:s0] =	ssyncset.done @!p0 $0x0  }
0xbf: {  	[sflag:s0] =	ssyncadd.s32 @!p0 s1  }
0xc0: {  	[bflag:$0x3] =	sbarrier.arrive $0xFFFF  }
0xc1: {  	_ =	shalt  }

// kernel: kernel.9.cloned.1.call-start
scs
__scs_entry_jumppad:
0x0: {  	(pc) =	sbr.rel $0x88, $3  }
0x1: {  	(tag) =	ssettag $0x0;
	lr =	simm.s32 $0x1  }
0x2: {  	[smem:$0x3F9B] =	sst lr;
	_ =	strace $0xD0000000  }
0x3: {  	_ = 	snop  }
0x4: {  	_ = 	snop  }
0x5: {  	_ = 	snop  }
0x6: {  	_ = 	snop  }
0x7: {  	_ = 	snop  }
__scs_overlays_trampoline_lowered:
0x8: {  	[smem:$0x3FAA] =	sst s0  }
0x9: {  	[smem:$0x3FAB] =	sst s1  }
0xa: {  	[smem:$0x3FAC] =	sst s2  }
0xb: {  	[smem:$0x3FAD] =	sst s3  }
0xc: {  	[smem:$0x3FAE] =	sst s4  }
0xd: {  	[smem:$0x3FAF] =	sst s5  }
0xe: {  	[smem:$0x3FB0] =	sst s6  }
0xf: {  	[smem:$0x3FB1] =	sst s7  }
0x10: {  	[smem:$0x3FB2] =	sst s8  }
0x11: {  	[smem:$0x3FB3] =	sst s9;
	s0 =	simm.s32 @!p0 $0x0  }
0x12: {  	s1 =	sld [smem:$0x3F99];
	s0 =	simm.s32 @p0 $0x1  }
0x13: {  	[smem:$0x3FB4] =	sst s0;
	s0 =	simm.s32 @!p1 $0x0  }
0x14: {  	s2 =	sld [smem:$0x3F98];
	s0 =	simm.s32 @p1 $0x1  }
0x15: {  	[smem:$0x3FB5] =	sst s0;
	s0 =	simm.s32 @!p2 $0x0  }
0x16: {  	s3 =	sld [smem:$0x3FDB];
	s0 =	simm.s32 @p2 $0x1  }
0x17: {  	s4 =	simm.s32 $0x1BF5;
	[smem:$0x3FB7] =	sst s0  }
0x18: {  	s0 =	sld [smem:$0x3F9A];
	_ =	swait.ge [sflag:s4], $0x0  }
0x19: {  	s7 =	sld [smem:$0x3F9B]  }
0x1a: {  	s8 =	sadd.s32 $0xFFFFE003, lr  }
0x1b: {  	s9 =	sadd.s32 $0xFFFFFEF7, lr;
	s5 =	simm.s32 $0xFFFFFFFF;
	p2 =	slt.u32 s8, $0xFFFFF086  }
0x1c: {  	p1 =	slt.u32 s9, $0xF7A;
	s5 =	simm.s32 @!p2 $0x0  }
0x1d: {  	s5 =	simm.s32 @p1 $0x1;
	p0 =	seq.s32 s7, s2  }
0x1e: {  	s7 =	smul.u32 @!p0 $0xF7A, s2;
	p2 =	seq.s32 @!p0 s5, $0x0  }
0x1f: {  	s9 =	smul.u32 $0xF7A, s1;
	s8 =	simm.s32 @!p0 $0x1BF5;
	p2 =	por !p2, p0  }
0x20: {  	[sflag:s8] =	ssyncset.s32 @!p0 $0xFFFFF086;
	s6 =	sadd.s32 @!p0 s3, s7;
	s7 =	simm.s32 @!p0 $0x108  }
0x21: {  	s3 =	sadd.s32 s3, s9;
	s6 =	sadd.s32 @!p0 $0x88, s6;
	s7 =	simm.s32 @p2 $0x1082  }
0x22: {  	[simem:s7], [sflag:s8] =	dma.local @!p0 [hbm:s6], $0xF7A  }
0x23: {  	s9 =	sor.u32 $0xD0000000, s2;
	s6 =	simm.s32 $0x108;
	_ =	swait.ge @!p0 [sflag:s8], $0x0  }
0x24: {  	s3 =	sadd.s32 $0x88, s3;
	s6 =	simm.s32 @!p1 $0x1082;
	[sflag:s4] =	ssyncset.s32 $0xFFFFF086  }
0x25: {  	[simem:s6], [sflag:s4] =	dma.local [hbm:s3], $0xF7A  }
0x26: {  	[smem:$0x3F9B] =	sst s1;
	(tag) =	ssettag s2;
	_ =	strace s9  }
0x27: {  	s1 =	sld [smem:$0x3FAB]  }
0x28: {  	s2 =	sld [smem:$0x3FAC]  }
0x29: {  	s4 =	sld [smem:$0x3FAE]  }
0x2a: {  	p0 =	seq.s32 s5, $0x0;
	s5 =	sld [smem:$0x3FAF]  }
0x2b: {  	s6 =	sld [smem:$0x3FB0]  }
0x2c: {  	s7 =	sld [smem:$0x3FB1]  }
0x2d: {  	s3 =	simm.s32 $0x108;
	s8 =	sld [smem:$0x3FB2]  }
0x2e: {  	s3 =	simm.s32 @!p0 $0x1082;
	s9 =	sld [smem:$0x3FB3]  }
0x2f: {  	lr =	sadd.s32 s0, s3;
	s0 =	sld [smem:$0x3FAA]  }
0x30: {  	s3 =	sld [smem:$0x3FAD]  }
0x31: {  	[smem:$0x3FB6] =	sst s10  }
0x32: {  	s10 =	sld [smem:$0x3FB4];
	_ =	sdelay $0x3  }
0x33: {  	p0 =	seq.s32 s10, $0x1;
	s10 =	sld [smem:$0x3FB6];
	_ =	sdelay $0x3  }
0x34: {  	[smem:$0x3FB6] =	sst s10  }
0x35: {  	s10 =	sld [smem:$0x3FB5];
	_ =	sdelay $0x3  }
0x36: {  	p1 =	seq.s32 s10, $0x1;
	s10 =	sld [smem:$0x3FB6];
	_ =	sdelay $0x3  }
0x37: {  	[smem:$0x3FB6] =	sst s10  }
0x38: {  	s10 =	sld [smem:$0x3FB7]  }
0x39: {  	_ = 	snop;
	(pc) =	sbr.ind lr, $3  }
0x3a: {  	_ = 	snop  }
0x3b: {  	_ = 	snop  }
0x3c: {  	p2 =	seq.s32 s10, $0x1;
	s10 =	sld [smem:$0x3FB6]  }
0x3d: {  	_ =	shalt  }
0x3e: {  	_ =	shalt  }
0x3f: {  	_ =	shalt  }
0x40: {  	_ =	shalt  }
0x41: {  	_ =	shalt  }
0x42: {  	_ =	shalt  }
0x43: {  	_ =	shalt  }
0x44: {  	_ =	shalt  }
0x45: {  	_ =	shalt  }
0x46: {  	_ =	shalt  }
0x47: {  	_ =	shalt  }
0x48: {  	_ =	shalt  }
0x49: {  	_ =	shalt  }
0x4a: {  	_ =	shalt  }
0x4b: {  	_ =	shalt  }
0x4c: {  	_ =	shalt  }
0x4d: {  	_ =	shalt  }
0x4e: {  	_ =	shalt  }
0x4f: {  	_ =	shalt  }
0x50: {  	_ =	shalt  }
0x51: {  	_ =	shalt  }
0x52: {  	_ =	shalt  }
0x53: {  	_ =	shalt  }
0x54: {  	_ =	shalt  }
0x55: {  	_ =	shalt  }
0x56: {  	_ =	shalt  }
0x57: {  	_ =	shalt  }
0x58: {  	_ =	shalt  }
0x59: {  	_ =	shalt  }
0x5a: {  	_ =	shalt  }
0x5b: {  	_ =	shalt  }
0x5c: {  	_ =	shalt  }
0x5d: {  	_ =	shalt  }
0x5e: {  	_ =	shalt  }
0x5f: {  	_ =	shalt  }
0x60: {  	_ =	shalt  }
0x61: {  	_ =	shalt  }
0x62: {  	_ =	shalt  }
0x63: {  	_ =	shalt  }
0x64: {  	_ =	shalt  }
0x65: {  	_ =	shalt  }
0x66: {  	_ =	shalt  }
0x67: {  	_ =	shalt  }
0x68: {  	_ =	shalt  }
0x69: {  	_ =	shalt  }
0x6a: {  	_ =	shalt  }
0x6b: {  	_ =	shalt  }
0x6c: {  	_ =	shalt  }
0x6d: {  	_ =	shalt  }
0x6e: {  	_ =	shalt  }
0x6f: {  	_ =	shalt  }
0x70: {  	_ =	shalt  }
0x71: {  	_ =	shalt  }
0x72: {  	_ =	shalt  }
0x73: {  	_ =	shalt  }
0x74: {  	_ =	shalt  }
0x75: {  	_ =	shalt  }
0x76: {  	_ =	shalt  }
0x77: {  	_ =	shalt  }
0x78: {  	_ =	shalt  }
0x79: {  	_ =	shalt  }
0x7a: {  	_ =	shalt  }
0x7b: {  	_ =	shalt  }
0x7c: {  	_ =	shalt  }
0x7d: {  	_ =	shalt  }
0x7e: {  	_ =	shalt  }
0x7f: {  	_ =	shalt  }
0x80: {  	_ =	shalt  }
0x81: {  	_ =	shalt  }
0x82: {  	_ =	shalt  }
0x83: {  	_ =	shalt  }
0x84: {  	_ =	shalt  }
0x85: {  	_ =	shalt  }
0x86: {  	_ =	shalt  }
0x87: {  	_ =	shalt  }
.Lfunc_end0:
.L_simem_size_0:
called_computation_lowered:
.L_overlay_start_0:
0x88: {  	s2 =	sld [smem:$0x3FD9]  }
0x89: {  	s3 =	sld [smem:$0x3FFE];
	_ =	sdelay $0x1  }
0x8a: {  	s1 =	srdreg.scid  }
0x8b: {  	s0 =	sand.u32 $0x1, s1  }
0x8c: {  	s17 =	sshll.u32 s0, $0xA;
	s2 =	sadd.s32 s3, s2  }
0x8d: {  	s2 =	sadd.s32 s2, s17  }
0x8e: {  	[smem:$0x3FC2] =	sst s2  }
0x8f: {  	_ = 	snop  }
0x90: {  	s2 =	sld [smem:$0x3FD0];
	(tm) =	ssettm $0x1  }
0x91: {  	s18 =	sld [smem:$0x3FFB];
	_ =	sdelay $0x3  }
0x92: {  	_ =	strace s18  }
0x93: {  	s3 =	sld [smem:$0x3FFC];
	_ =	sdelay $0x3  }
0x94: {  	_ =	strace s3  }
0x95: {  	s3 =	sld [smem:$0x3FFD];
	_ =	sdelay $0x3  }
0x96: {  	_ =	strace s3  }
0x97: {  	_ =	strace $0x8FFFFFFF  }
0x98: {  	s19 =	sld [smem:$0x3FDB];
	_ =	sdelay $0x1  }
0x99: {  	s4 =	simm.s32 $_scs_section_size  }
0x9a: {  	s5 =	simm.s32 $_size__tile_overlayer_lowered;
	s6 =	simm.s32 $_tile_overlayer_lowered  }
0x9b: {  	s22 =	simm.s32 $0x1BFF;
	s21 =	sshll.u32 s6, $0x1;
	s3 =	sadd.s32 s4, s19  }
0x9c: {  	s7 =	simm.s32 $0x0;
	s20 =	sshll.u32 s5, $0x1;
	s5 =	sadd.s32 s21, s3  }
0x9d: {  	[timem:s7], [sflag:s22] =	dma.local [hbm:s5], s20  }
0x9e: {  	_ =	swait.ge [sflag:s22], s20  }
0x9f: {  	s4 =	ssub.s32 $0x0, s20;
	[sflag:s22] =	ssyncset.done $0x0  }
0xa0: {  	[sflag:s22] =	ssyncadd.s32 s4;
	_ =	sdelay $0x1  }
0xa1: {  	s23 =	simm.s32 $0x1B8B  }
0xa2: {  	_ =	swait.ge [sflag:s23], $0x1  }
0xa3: {  	[sflag:s23] =	ssyncset.done $0x0  }
0xa4: {  	s25 =	simm.s32 $0x1B8E;
	s24 =	sld [smem:$0x3FFE];
	[sflag:s23] =	ssyncadd.s32 $0xFFFFFFFF  }
0xa5: {  	s26 =	simm.s32 $execute0_lowered;
	[smem:$0x3FD2] =	sst s25  }
0xa6: {  	s5 =	sshll.u32 s26, $0x1;
	_ =	strace $0x80000046;
	[dreg:$0x1] =	wrdreg $0xFFFFFFFF  }
0xa7: {  	s28 =	simm.s32 $_size_execute0_lowered;
	s3 =	sadd.s32 s3, s5;
	[dreg:$0x0] =	wrdreg $0x0  }
0xa8: {  	s5 =	sshll.u32 s28, $0x1;
	[dreg:$0x2] =	wrdreg s3  }
0xa9: {  	[dreg:$0x3] =	wrdreg s5  }
0xaa: {  	[dreg:$0x4] =	wrdreg $0xC0  }
0xab: {  	_ =	task [dreg:s7], $0x5FFFF  }
0xac: {  	[dreg:$0x1] =	wrdreg $0xFFFFFFFF  }
0xad: {  	[dreg:$0x0] =	wrdreg $0x60  }
0xae: {  	[dreg:$0x2] =	wrdreg s24  }
0xaf: {  	[dreg:$0x3] =	wrdreg s2  }
0xb0: {  	[dreg:$0x4] =	wrdreg $0x30000  }
0xb1: {  	[dreg:$0x5] =	wrdreg $0x9  }
0xb2: {  	_ =	task.clear_ibuf [dreg:s7], $0x6FFFF;
	_ =	strace $0x90000046  }
0xb3: {  	s29 =	simm.s32 $0x9;
	_ =	strace $0x80000048  }
0xb4: {  	_ =	swait.ge [sflag:s29], $0x1  }
0xb5: {  	[sflag:s29] =	ssyncadd.s32 $0xFFFFFFFF  }
0xb6: {  	_ =	strace $0x90000048  }
0xb7: {  	_ =	sfence  }
0xb8: {  	s30 =	sld [smem:$0x0];
	_ =	sdelay $0x2  }
0xb9: {  	s31 =	sshll.u32 s1, $0xD;
	s1 =	sshrl.u32 s1, $0x2  }
0xba: {  	s3 =	sand.u32 $0x4000, s31;
	s1 =	sadd.s32 s1, s30  }
0xbb: {  	s0 =	sor.u32 s3, s0;
	s1 =	sshll.u32 s1, $0x11  }
0xbc: {  	s0 =	sor.u32 s1, s0  }
0xbd: {  	s0 =	sadd.s32 $0x8F2B, s0  }
0xbe: {  	[sflag:s0] =	ssyncadd.remote.s32 $0x1  }
0xbf: {  	_ =	sfence.sel $0xFFFF  }
0xc0: {  	[dreg:$0x0] =	wrdreg $0xFFFFFFFF;
	(pc) =	sbr.abs _section_cstart, $3  }
0xc1: {  	[dreg:$0x1] =	wrdreg $0xFFFFFFFF  }
0xc2: {  	_ =	task.clear_ibuf [dreg:s7], $0x2FFFF;
	_ =	strace $0x9FFFFFFF  }
0xc3: {  	(tm) =	ssettm $0x7FFFFFFF  }
tec
execute0_lowered:
.L_overlay_start_1:
0x0: {  	(tag) =	ssettag $0x1  }
0x1: {  	s5 =	rddreg [dreg:$0x0]  }
0x2: {  	s7 =	rddreg [dreg:$0x1]  }
0x3: {  	s2 =	rddreg [dreg:$0x2]  }
0x4: {  	s0 =	stileid.u32;
	s1 =	srdreg.scid  }
0x5: {  	s3 =	simm.s32 $0x0;
	s13 =	simm.s32 $0x80;
	s14 =	simm.s32 $0x1  }
0x6: {  	s15 =	simm.s32 $0x0;
	s8 =	sand.u32 $0x1, s1;
	s1 =	rddreg [dreg:$0x3]  }
0x7: {  	s6 =	smul.u32 $0x2800, s0;
	s4 =	sshll.u32 s0, $0x1;
	[smem:$0x7FF] =	sst s3  }
0x8: {  	s31 =	sshll.u32 s0, $0x6;
	s4 =	sor.u32 s8, s4;
	_ =	strace $0x80000047  }
0x9: {  	s11 =	smul.u32 $0x28000, s8;
	s8 =	ssub.s32 $0x2, s8;
	s9 =	sshrl.u32 s6, $0x3  }
0xa: {  	s10 =	smul.u32 $0x2800, s4;
	s4 =	sadd.s32 $0x1BC00, s5;
	s12 =	sshrl.u32 s8, $0x1  }
0xb: {  	s30 =	sadd.s32 s6, s2;
	s9 =	sadd.s32 s9, s5;
	s29 =	sadd.s32 s6, s11  }
0xc: {  	s8 =	ssub.s32 s8, s12;
	s11 =	sor.u32 $0x1C02, s31;
	s12 =	sshrl.u32 s30, $0x3  }
0xd: {  	s10 =	sshrl.u32 s10, $0x3;
	s6 =	sadd.s32 $0x16C00, s9;
	s8 =	smax.u32 s8, $0x1  }
0xe: {  	s9 =	simm.s32 $0x2;
	s5 =	sadd.s32 s5, s10;
	s10 =	sshrl.u32 s29, $0x3  }
0xf: {  	s5 =	sadd.s32 $0xCC00, s5;
	s7 =	sadd.s32 s7, s10;
	s10 =	simm.s32 $0x2800  }
.LBB2_1:
0x10: {  	[tilespmem:s3], [sflag:$0x2] =	stream.linear.gather [hbm4b:s5+s3], $0x2800, $0x38;
	[tilespmem:$0x5800] =	vst v63  }
0x11: {  	_ =	swait.ge [sflag:s9], $0x2800  }
0x12: {  	[sflag:s9] =	ssyncset.done $0x0  }
0x13: {  	[sflag:s9] =	ssyncadd.s32 $0xFFFFD800  }
0x14: {  	[tilespmem:s10], [sflag:$0x2] =	stream.linear.gather [hbm4b:s4+s3], $0x800, $0x38;
	[tilespmem:$0x5800] =	vst v63  }
0x15: {  	_ =	swait.ge [sflag:s9], $0x800  }
0x16: {  	[sflag:s9] =	ssyncset.done $0x0  }
0x17: {  	[sflag:s9] =	ssyncadd.s32 $0xFFFFF800  }
0x18: {  	[spmem:s12], [sflag:s11] =	dma.local [hbm:s6], $0x500  }
0x19: {  	_ =	swait.ge [sflag:s9], $0x500  }
0x1a: {  	[sflag:s9] =	ssyncset.done $0x0  }
0x1b: {  	[sflag:s9] =	ssyncadd.s32 $0xFFFFFB00  }
0x1c: {  	s16 =	simm.s32 $0x0;
	[bflag:$0x0] =	sbarrier.arrive $0xFFFF  }
.LBB2_2:
0x1d: {  	p0 =	sne.s32 s16, $0x9E00  }
.Ltmp0:
0x1e: {  	_ = 	snop;
	(pc) =	sbr.rel @p0 .LBB2_2-.Ltmp0, $3  }
0x1f: {  	_ =	sdelay $0x1  }
0x20: {  	s17 =	sshra.s32 s16, $0x2;
	s16 =	sadd.s32 $0x200, s16  }
0x21: {  	[spmem:s2] =	stream.indirect.scatter.add.f32 [tilespmem:s10], [sflag:$0x1], $0x10, s17, s13, $0xb8;
	[tilespmem:$0x5800] =	vst v63  }
0x22: {  	_ =	swait.ge [sflag:s14], $0x800  }
0x23: {  	s16 =	simm.s32 $0x4F;
	[sflag:s14] =	ssyncset.done $0x0  }
.LBB2_4:
0x24: {  	p0 =	sne.s32 s16, $0x1;
	s16 =	sadd.s32 $0xFFFFFFFF, s16;
	[sflag:s14] =	ssyncadd.s32 $0xFFFFF800  }
.Ltmp1:
0x25: {  	(pc) =	sbr.rel @p0 .LBB2_4-.Ltmp1, $3  }
0x26: {  	_ =	sdelay $0x1  }
0x27: {  	_ =	swait.ge [sflag:s14], $0x800  }
0x28: {  	[sflag:s14] =	ssyncset.done $0x0  }
0x29: {  	s15 =	sadd.s32 $0x1, s15  }
0x2a: {  	[sflag:s14] =	ssyncadd.s32 $0xFFFFF800;
	p0 =	sne.s32 s15, s8  }
.Ltmp2:
0x2b: {  	[bflag:$0x0] =	sbarrier.arrive $0xFFFF;
	(pc) =	sbr.rel @p0 .LBB2_1-.Ltmp2, $4  }
0x2c: {  	[hbm:s7], [sflag:s11] =	dma.local [spmem:s12], $0x500  }
0x2d: {  	_ =	swait.ge [sflag:s9], $0x500  }
0x2e: {  	[sflag:s9] =	ssyncset.done $0x0  }
0x2f: {  	[sflag:s9] =	ssyncadd.s32 $0xFFFFFB00  }
0x30: {  	_ =	sfence.sel $0x180000  }
0x31: {  	[bflag:$0x0] =	sbarrier.arrive $0xFFFF  }
0x32: {  	p0 =	sne.s32 s0, $0x0;
	_ =	strace $0x90000047  }
0x33: {  	s0 =	sadd.s32 @!p0 $0x100000, s1;
	[bflag:$0x2] =	sbarrier.arrive $0xFFFF  }
0x34: {  	[sflag:s0] =	ssyncadd.tile.s32 @!p0 $0x1;
	_ =	shalt  }
.Lfunc_end2:
_tile_overlayer_lowered:
.L_overlay_start_2:
0x35: {  	(tag) =	ssettag $0x2  }
0x36: {  	s0 =	rddreg [dreg:$0x0];
	s2 =	stileid.u32  }
0x37: {  	s1 =	rddreg [dreg:$0x1];
	p0 =	sne.s32 s2, $0x0  }
0x38: {  	s3 =	rddreg [dreg:$0x2];
	[bflag:$0x3] =	sbarrier.arrive $0xFFFF;
	s2 =	simm.s32 @!p0 $0x1C02  }
0x39: {  	[timem:s3], [sflag:s2] =	dma.local @!p0 [hbm:s0], s1  }
0x3a: {  	s0 =	simm.s32 @!p0 $0x2  }
0x3b: {  	_ =	swait.ge @!p0 [sflag:s0], s1  }
0x3c: {  	s1 =	ssub.s32 @!p0 $0x0, s1;
	[sflag:s0] =	ssyncset.done @!p0 $0x0  }
0x3d: {  	[sflag:s0] =	ssyncadd.s32 @!p0 s1  }
0x3e: {  	[bflag:$0x3] =	sbarrier.arrive $0xFFFF  }
0x3f: {  	_ =	shalt  }

</sc_bundles>
